<compile_context>
chip_gen: v7x
topology: tpu7x:2x2x1
jax: 0.10.2.dev20260603
libtpu: 0.0.44.dev20260713+nightly
codegen_flags: <defaults>
</compile_context>

<pallas_src>
import functools

import jax
import jax.numpy as jnp
from jax import lax
from jax.experimental import pallas as pl
from jax.experimental.pallas import tpu as pltpu
from jax.experimental.pallas import tpu_sc as plsc

N = 10000
E = 320000
D_IN = 128
D_H = 256
D_OUT = 128
B = 128

NC = 2
NS = 16
NP = 10112
RPT = NP // NS
CHUNK = 64
CH = 316
CH2 = 158
DCHUNK = 128
DCH = 79
EP = NS * CH * CHUNK

_BLK = 400
_NBLK = N // _BLK


def _sc_mesh():
    return plsc.VectorSubcoreMesh(core_axis_name="c", subcore_axis_name="s",
                                  num_cores=NC)



@functools.partial(
    pl.kernel,
    out_type=jax.ShapeDtypeStruct((NC * NP, 16), jnp.float32),
    mesh=_sc_mesh(),
    compiler_params=pltpu.CompilerParams(use_tc_tiling_on_sc=False),
    scratch_types=[
        pltpu.VMEM_SHARED((NP, 16), jnp.float32),
        pltpu.VMEM((DCH, DCHUNK), jnp.int32),
        pltpu.VMEM((DCHUNK, 16), jnp.float32),
    ],
)
def _deg_kernel(dst_hbm, ones_hbm, zeros_hbm, out_hbm, acc, dst_v, ones_v):
    c = lax.axis_index("c")
    s = lax.axis_index("s")
    wid = c * NS + s
    r0 = s * RPT
    pltpu.sync_copy(dst_hbm.at[wid], dst_v)
    pltpu.sync_copy(ones_hbm, ones_v)
    pltpu.sync_copy(zeros_hbm.at[pl.ds(r0, RPT)], acc.at[pl.ds(r0, RPT)])
    plsc.subcore_barrier()

    @pl.loop(0, DCH)
    def _(j):
        pltpu.sync_copy(ones_v, acc.at[dst_v.at[j]], add=True)

    plsc.subcore_barrier()
    pltpu.sync_copy(acc.at[pl.ds(r0, RPT)],
                    out_hbm.at[pl.ds(c * NP + r0, RPT)])



@functools.partial(
    pl.kernel,
    out_type=jax.ShapeDtypeStruct((NC * NP, D_IN), jnp.float32),
    mesh=_sc_mesh(),
    compiler_params=pltpu.CompilerParams(use_tc_tiling_on_sc=False),
    scratch_types=[
        pltpu.VMEM_SHARED((NP, D_IN), jnp.float32),
        pltpu.VMEM((CH2, CHUNK), jnp.int32),
        pltpu.VMEM((CH2, CHUNK), jnp.int32),
        pltpu.VMEM((CHUNK, D_IN), jnp.float32),
        pltpu.SemaphoreType.DMA,
    ],
)
def _scatter_es(y_hbm, src_hbm, dst_hbm, zeros_hbm, out_hbm,
                acc, src_v, dst_v, rows_v, sem):
    c = lax.axis_index("c")
    s = lax.axis_index("s")
    wid = c * NS + s
    r0 = s * RPT
    pltpu.sync_copy(src_hbm.at[wid], src_v)
    pltpu.sync_copy(dst_hbm.at[wid], dst_v)

    @pl.when(c == 0)
    def _():
        pltpu.sync_copy(y_hbm.at[pl.ds(r0, RPT)], acc.at[pl.ds(r0, RPT)])

    @pl.when(c == 1)
    def _():
        pltpu.sync_copy(zeros_hbm.at[pl.ds(r0, RPT)], acc.at[pl.ds(r0, RPT)])

    plsc.subcore_barrier()

    @pl.loop(0, CH2)
    def _(j):
        pltpu.async_copy(y_hbm.at[src_v.at[j]], rows_v, sem).wait()
        pltpu.sync_copy(rows_v, acc.at[dst_v.at[j]], add=True)

    plsc.subcore_barrier()
    pltpu.sync_copy(acc.at[pl.ds(r0, RPT)],
                    out_hbm.at[pl.ds(c * NP + r0, RPT)])



HW = D_H // 2


@functools.partial(
    pl.kernel,
    out_type=jax.ShapeDtypeStruct((NC * NP, HW), jnp.float32),
    mesh=_sc_mesh(),
    compiler_params=pltpu.CompilerParams(use_tc_tiling_on_sc=False),
    scratch_types=[
        pltpu.VMEM_SHARED((NP, HW), jnp.float32),
        pltpu.VMEM((CH, CHUNK), jnp.int32),
        pltpu.VMEM((CH, CHUNK), jnp.int32),
        pltpu.VMEM((CHUNK, HW), jnp.float32),
        pltpu.SemaphoreType.DMA,
    ],
)
def _scatter_fs(y_hbm, src_hbm, dst_hbm, out_hbm, acc, src_v, dst_v,
                rows_v, sem):
    c = lax.axis_index("c")
    s = lax.axis_index("s")
    wid = c * NS + s
    r0 = s * RPT
    pltpu.sync_copy(src_hbm.at[wid], src_v)
    pltpu.sync_copy(dst_hbm.at[s], dst_v)
    pltpu.sync_copy(y_hbm.at[pl.ds(c * NP + r0, RPT)], acc.at[pl.ds(r0, RPT)])
    plsc.subcore_barrier()

    @pl.loop(0, CH)
    def _(j):
        pltpu.async_copy(y_hbm.at[src_v.at[j]], rows_v, sem).wait()
        pltpu.sync_copy(rows_v, acc.at[dst_v.at[j]], add=True)

    plsc.subcore_barrier()
    pltpu.sync_copy(acc.at[pl.ds(r0, RPT)],
                    out_hbm.at[pl.ds(c * NP + r0, RPT)])



def _tc_a_body(x_ref, ca_ref, cb_ref, dinv_ref, y_ref):
    di = lax.rsqrt(ca_ref[:, :1] + cb_ref[:, :1] + 1.0)
    dinv_ref[...] = di
    y_ref[...] = x_ref[...] * di


def _tc_a(x, cnt_a, cnt_b):
    return pl.pallas_call(
        _tc_a_body,
        grid=(_NBLK,),
        in_specs=[
            pl.BlockSpec((_BLK, D_IN), lambda i: (i, 0)),
            pl.BlockSpec((_BLK, 16), lambda i: (i, 0)),
            pl.BlockSpec((_BLK, 16), lambda i: (i, 0)),
        ],
        out_specs=[
            pl.BlockSpec((_BLK, 1), lambda i: (i, 0)),
            pl.BlockSpec((_BLK, D_IN), lambda i: (i, 0)),
        ],
        out_shape=[
            jax.ShapeDtypeStruct((N, 1), jnp.float32),
            jax.ShapeDtypeStruct((N, D_IN), jnp.float32),
        ],
    )(x, cnt_a, cnt_b)


def _tc_b_body(sa_ref, sb_ref, dinv_ref, W0_ref, b0_ref, W1_ref,
               yl_ref, yr_ref):
    di = dinv_ref[...]
    a = (sa_ref[...] + sb_ref[...]) * di
    h = jnp.maximum(jnp.dot(a, W0_ref[...],
                            preferred_element_type=jnp.float32) + b0_ref[...],
                    0.0)
    y = jnp.dot(h, W1_ref[...], preferred_element_type=jnp.float32) * di
    yl_ref[...] = y[:, :HW]
    yr_ref[...] = y[:, HW:]


def _tc_b(sa, sb, dinv, W0, b0, W1):
    return pl.pallas_call(
        _tc_b_body,
        grid=(_NBLK,),
        in_specs=[
            pl.BlockSpec((_BLK, D_IN), lambda i: (i, 0)),
            pl.BlockSpec((_BLK, D_IN), lambda i: (i, 0)),
            pl.BlockSpec((_BLK, 1), lambda i: (i, 0)),
            pl.BlockSpec((D_IN, D_H), lambda i: (0, 0)),
            pl.BlockSpec((1, D_H), lambda i: (0, 0)),
            pl.BlockSpec((D_H, D_H), lambda i: (0, 0)),
        ],
        out_specs=[
            pl.BlockSpec((_BLK, HW), lambda i: (i, 0)),
            pl.BlockSpec((_BLK, HW), lambda i: (i, 0)),
        ],
        out_shape=[
            jax.ShapeDtypeStruct((N, HW), jnp.float32),
            jax.ShapeDtypeStruct((N, HW), jnp.float32),
        ],
    )(sa, sb, dinv, W0, b0, W1)


def _tc_c_body(sl_ref, sr_ref, dinv_ref, b_ref, W_ref, yl_ref, yr_ref):
    di = dinv_ref[...]
    h = jnp.maximum(
        jnp.concatenate([sl_ref[...], sr_ref[...]], axis=1) * di + b_ref[...],
        0.0)
    y = jnp.dot(h, W_ref[...], preferred_element_type=jnp.float32) * di
    yl_ref[...] = y[:, :HW]
    yr_ref[...] = y[:, HW:]


def _tc_c(sl, sr, dinv, b, W):
    return pl.pallas_call(
        _tc_c_body,
        grid=(_NBLK,),
        in_specs=[
            pl.BlockSpec((_BLK, HW), lambda i: (i, 0)),
            pl.BlockSpec((_BLK, HW), lambda i: (i, 0)),
            pl.BlockSpec((_BLK, 1), lambda i: (i, 0)),
            pl.BlockSpec((1, D_H), lambda i: (0, 0)),
            pl.BlockSpec((D_H, D_H), lambda i: (0, 0)),
        ],
        out_specs=[
            pl.BlockSpec((_BLK, HW), lambda i: (i, 0)),
            pl.BlockSpec((_BLK, HW), lambda i: (i, 0)),
        ],
        out_shape=[
            jax.ShapeDtypeStruct((N, HW), jnp.float32),
            jax.ShapeDtypeStruct((N, HW), jnp.float32),
        ],
    )(sl, sr, dinv, b, W)


def _tc_d_body(sl_ref, sr_ref, dinv_ref, b2_ref, batch_ref,
               lw1_ref, lb1_ref, lw2_ref, lb2_ref, out_ref, pooled):
    i = pl.program_id(0)
    di = dinv_ref[...]
    h = jnp.maximum(
        jnp.concatenate([sl_ref[...], sr_ref[...]], axis=1) * di + b2_ref[...],
        0.0)
    iota_b = lax.broadcasted_iota(jnp.int32, (1, B), 1)
    oh = (batch_ref[...] == iota_b).astype(jnp.float32)
    contrib = lax.dot_general(oh, h, (((0,), (0,)), ((), ())),
                              preferred_element_type=jnp.float32)

    @pl.when(i == 0)
    def _():
        pooled[...] = contrib

    @pl.when(i > 0)
    def _():
        pooled[...] += contrib

    @pl.when(i == _NBLK - 1)
    def _():
        t = jnp.maximum(
            jnp.dot(pooled[...], lw1_ref[...],
                    preferred_element_type=jnp.float32) + lb1_ref[...], 0.0)
        out_ref[...] = jnp.dot(t, lw2_ref[...],
                               preferred_element_type=jnp.float32) + lb2_ref[...]


def _tc_d(sl, sr, dinv, b2, batch2, lw1, lb1, lw2, lb2):
    return pl.pallas_call(
        _tc_d_body,
        grid=(_NBLK,),
        in_specs=[
            pl.BlockSpec((_BLK, HW), lambda i: (i, 0)),
            pl.BlockSpec((_BLK, HW), lambda i: (i, 0)),
            pl.BlockSpec((_BLK, 1), lambda i: (i, 0)),
            pl.BlockSpec((1, D_H), lambda i: (0, 0)),
            pl.BlockSpec((_BLK, 1), lambda i: (i, 0)),
            pl.BlockSpec((D_H, D_H), lambda i: (0, 0)),
            pl.BlockSpec((1, D_H), lambda i: (0, 0)),
            pl.BlockSpec((D_H, D_OUT), lambda i: (0, 0)),
            pl.BlockSpec((1, D_OUT), lambda i: (0, 0)),
        ],
        out_specs=pl.BlockSpec((B, D_OUT), lambda i: (0, 0)),
        out_shape=jax.ShapeDtypeStruct((B, D_OUT), jnp.float32),
        scratch_shapes=[pltpu.VMEM((B, D_H), jnp.float32)],
    )(sl, sr, dinv, b2, batch2, lw1, lb1, lw2, lb2)



def kernel(x, edge_index, batch, W0, b0, W1, b1, W2, b2, lw1, lb1, lw2, lb2):
    src = edge_index[0]
    dst = edge_index[1]
    pad = EP - E
    src_p = jnp.concatenate([src, jnp.zeros((pad,), jnp.int32)])
    dst_p = jnp.concatenate([dst, jnp.full((pad,), N, jnp.int32)])
    src_fs = src_p.reshape(NS, CH, CHUNK)
    dst_fs = dst_p.reshape(NS, CH, CHUNK)
    src_fs_off = jnp.concatenate([src_fs, src_fs + NP]).reshape(
        NC * NS, CH, CHUNK)
    src_es = src_p.reshape(NC * NS, CH2, CHUNK)
    dst_es = dst_p.reshape(NC * NS, CH2, CHUNK)
    dst_dg = dst_p.reshape(NC * NS, DCH, DCHUNK)

    ones16 = jnp.ones((DCHUNK, 16), jnp.float32)
    zcnt = jnp.zeros((NP, 16), jnp.float32)
    zrow = jnp.zeros((NP - N, D_IN), jnp.float32)
    zrow_h = jnp.zeros((NP - N, HW), jnp.float32)
    znode = jnp.zeros((NP, D_IN), jnp.float32)
    b0r = b0.reshape(1, D_H)
    b1r = b1.reshape(1, D_H)
    b2r = b2.reshape(1, D_H)
    lb1r = lb1.reshape(1, D_H)
    lb2r = lb2.reshape(1, D_OUT)
    batch2 = batch.reshape(N, 1)

    cnt = _deg_kernel(dst_dg, ones16, zcnt)
    dinv, y0 = _tc_a(x, cnt[:N], cnt[NP:NP + N])

    y0f = jnp.concatenate([y0, zrow])
    s0f = _scatter_es(y0f, src_es, dst_es, znode)
    y1l, y1r = _tc_b(s0f[:N], s0f[NP:NP + N], dinv, W0, b0r, W1)

    y1f = jnp.concatenate([y1l, zrow_h, y1r, zrow_h])
    s1f = _scatter_fs(y1f, src_fs_off, dst_fs)
    y2l, y2r = _tc_c(s1f[:N], s1f[NP:NP + N], dinv, b1r, W2)

    y2f = jnp.concatenate([y2l, zrow_h, y2r, zrow_h])
    s2f = _scatter_fs(y2f, src_fs_off, dst_fs)
    return _tc_d(s2f[:N], s2f[NP:NP + N], dinv, b2r, batch2,
                 lw1, lb1r, lw2, lb2r)

# --- scband reference (transcript-rebuilt; emitter-appended) ---
"""Pipeline reference for scband-gcn-84464826843157 (READ-ONLY COPY).

The authoritative reference and input builder live on the scoring server;
editing this copy changes nothing except your own understanding.
"""

import jax, jax.numpy as jnp
import numpy as np

N = 10000
E = 320000
D_IN = 128
D_H = 256
D_OUT = 128
B = 128


def setup_inputs(seed: int = 0) -> dict:
    key = jax.random.key(seed)
    ks = jax.random.split(key, 16)
    x = jax.random.normal(ks[0], (N, D_IN), dtype=jnp.float32)
    edge_index = jax.random.randint(ks[1], (2, E), 0, N, dtype=jnp.int32)
    batch = jnp.sort(jax.random.randint(ks[2], (N,), 0, B, dtype=jnp.int32))
    def lin(k, fan_in, fan_out):
        return jax.random.normal(k, (fan_in, fan_out), dtype=jnp.float32) / np.sqrt(fan_in)
    W0 = lin(ks[3], D_IN, D_H); b0 = jnp.zeros((D_H,), jnp.float32)
    W1 = lin(ks[4], D_H, D_H); b1 = jnp.zeros((D_H,), jnp.float32)
    W2 = lin(ks[5], D_H, D_H); b2 = jnp.zeros((D_H,), jnp.float32)
    lw1 = lin(ks[6], D_H, D_H); lb1 = jnp.zeros((D_H,), jnp.float32)
    lw2 = lin(ks[7], D_H, D_OUT); lb2 = jnp.zeros((D_OUT,), jnp.float32)
    return {"x": x, "edge_index": edge_index, "batch": batch,
            "W0": W0, "b0": b0, "W1": W1, "b1": b1, "W2": W2, "b2": b2,
            "lw1": lw1, "lb1": lb1, "lw2": lw2, "lb2": lb2}


def _gcn_conv(x, src_all, dst_all, norm, W, b):
    # GCNConv: x' = D^{-1/2}(A+I)D^{-1/2} x W + b
    xw = x @ W
    msg = xw[src_all] * norm[:, None]
    out = jnp.zeros((N, xw.shape[1]), xw.dtype).at[dst_all].add(msg)
    return out + b


def reference(x, edge_index, batch, W0, b0, W1, b1, W2, b2, lw1, lb1, lw2, lb2):
    src, dst = edge_index[0], edge_index[1]
    loop = jnp.arange(N, dtype=src.dtype)
    src_all = jnp.concatenate([src, loop])
    dst_all = jnp.concatenate([dst, loop])
    # symmetric normalization with self-loops (edge_weight=None -> all ones)
    deg = jnp.zeros((N,), jnp.float32).at[dst_all].add(1.0)
    dinv = jnp.where(deg > 0, 1.0 / jnp.sqrt(deg), 0.0)
    norm = dinv[src_all] * dinv[dst_all]
    h = x
    for (W, b) in ((W0, b0), (W1, b1), (W2, b2)):
        h = _gcn_conv(h, src_all, dst_all, norm, W, b)
        h = jax.nn.relu(h)
    pooled = jax.ops.segment_sum(h, batch, num_segments=B)
    out = jax.nn.relu(pooled @ lw1 + lb1)
    # dropout is identity in eval-mode reference
    out = out @ lw2 + lb2
    return out

if __name__ == "__main__":
    import jax
    _d = setup_inputs()
    print(jax.jit(kernel)(*tuple(_d.values())))

</pallas_src>

<mosaic_0001>
#map = affine_map<(d0, d1) -> (0, 0, 0)>
#map1 = affine_map<(d0, d1) -> (0, 0)>
module attributes {stable_mosaic.version = 14 : i64} {
  func.func @_deg_kernel(%arg0: i32, %arg1: i32, %arg2: memref<32x79x128xi32, #tpu.memory_space<hbm>>, %arg3: memref<128x16xf32, #tpu.memory_space<hbm>>, %arg4: memref<10112x16xf32, #tpu.memory_space<hbm>>, %arg5: memref<20224x16xf32, #tpu.memory_space<hbm>>, %arg6: memref<10112x16xf32, #tpu.memory_space<vmem_shared>>, %arg7: memref<79x128xi32, #tpu.memory_space<vmem>>, %arg8: memref<128x16xf32, #tpu.memory_space<vmem>>) attributes {dimension_semantics = [#tpu.dimension_semantics<core_parallel>, #tpu.dimension_semantics<subcore_parallel>], iteration_bounds = array<i64: 2, 16>, scalar_prefetch = 0 : i64, scratch_operands = 3 : i64, tpu.core_type = #tpu.core_type<sc_vector_subcore>, window_params = [{transform_indices = #map}, {transform_indices = #map1}, {transform_indices = #map1}, {transform_indices = #map1}]} {
    %mul3A = arith.constant 16 : i32
    %mul3A_0 = arith.muli %arg0, %mul3A : i32
    %add3A = arith.addi %mul3A_0, %arg1 : i32
    %mul3A_1 = arith.constant 632 : i32
    %mul3A_2 = arith.muli %arg1, %mul3A_1 : i32
    "tpu.region"() ({
      %run_scoped3A = tpu.sem_alloc : memref<!tpu.dma_semaphore, #tpu.memory_space<semaphore_mem>>
      %dma_start3A = arith.constant 0 : i32
      %dma_start3A_11 = arith.constant 0 : i32
      %dma_start3A_12 = tpu.memref_slice %arg2[%add3A, %dma_start3A, %dma_start3A_11] : memref<32x79x128xi32, #tpu.memory_space<hbm>> -> memref<1x79x128xi32, #tpu.memory_space<hbm>>
      %dma_start3A_13 = tpu.memref_squeeze %dma_start3A_12 : memref<1x79x128xi32, #tpu.memory_space<hbm>> -> memref<79x128xi32, #tpu.memory_space<hbm>>
      %dma_start3A_14 = arith.constant 0 : i32
      %dma_start3A_15 = arith.constant 0 : i32
      %dma_start3A_16 = tpu.memref_slice %arg2[%add3A, %dma_start3A_14, %dma_start3A_15] : memref<32x79x128xi32, #tpu.memory_space<hbm>> -> memref<1x79x128xi32, #tpu.memory_space<hbm>>
      %dma_start3A_17 = tpu.memref_squeeze %dma_start3A_16 : memref<1x79x128xi32, #tpu.memory_space<hbm>> -> memref<79x128xi32, #tpu.memory_space<hbm>>
      tpu.enqueue_dma source(%dma_start3A_17 : memref<79x128xi32, #tpu.memory_space<hbm>>) target(%arg7 : memref<79x128xi32, #tpu.memory_space<vmem>>) target_semaphore(%run_scoped3A : memref<!tpu.dma_semaphore, #tpu.memory_space<semaphore_mem>>)
      %dma_wait3A = arith.constant 0 : i32
      %dma_wait3A_18 = arith.constant 0 : i32
      %dma_wait3A_19 = tpu.memref_slice %arg2[%add3A, %dma_wait3A, %dma_wait3A_18] : memref<32x79x128xi32, #tpu.memory_space<hbm>> -> memref<1x79x128xi32, #tpu.memory_space<hbm>>
      %dma_wait3A_20 = tpu.memref_squeeze %dma_wait3A_19 : memref<1x79x128xi32, #tpu.memory_space<hbm>> -> memref<79x128xi32, #tpu.memory_space<hbm>>
      %dma_wait3A_21 = arith.constant 0 : i32
      %dma_wait3A_22 = arith.constant 0 : i32
      %dma_wait3A_23 = tpu.memref_slice %arg2[%add3A, %dma_wait3A_21, %dma_wait3A_22] : memref<32x79x128xi32, #tpu.memory_space<hbm>> -> memref<1x79x128xi32, #tpu.memory_space<hbm>>
      %dma_wait3A_24 = tpu.memref_squeeze %dma_wait3A_23 : memref<1x79x128xi32, #tpu.memory_space<hbm>> -> memref<79x128xi32, #tpu.memory_space<hbm>>
      tpu.wait_dma2 semaphore(%run_scoped3A : memref<!tpu.dma_semaphore, #tpu.memory_space<semaphore_mem>>) src(%dma_wait3A_24 : memref<79x128xi32, #tpu.memory_space<hbm>>) dst(%arg7 : memref<79x128xi32, #tpu.memory_space<vmem>>)
      tpu.yield
    }) : () -> ()
    "tpu.region"() ({
      %run_scoped3A = tpu.sem_alloc : memref<!tpu.dma_semaphore, #tpu.memory_space<semaphore_mem>>
      tpu.enqueue_dma source(%arg3 : memref<128x16xf32, #tpu.memory_space<hbm>>) target(%arg8 : memref<128x16xf32, #tpu.memory_space<vmem>>) target_semaphore(%run_scoped3A : memref<!tpu.dma_semaphore, #tpu.memory_space<semaphore_mem>>)
      tpu.wait_dma2 semaphore(%run_scoped3A : memref<!tpu.dma_semaphore, #tpu.memory_space<semaphore_mem>>) src(%arg3 : memref<128x16xf32, #tpu.memory_space<hbm>>) dst(%arg8 : memref<128x16xf32, #tpu.memory_space<vmem>>)
      tpu.yield
    }) : () -> ()
    "tpu.region"() ({
      %run_scoped3A = tpu.sem_alloc : memref<!tpu.dma_semaphore, #tpu.memory_space<semaphore_mem>>
      %dma_start3A = arith.constant 0 : i32
      %dma_start3A_11 = tpu.memref_slice %arg6[%mul3A_2, %dma_start3A] : memref<10112x16xf32, #tpu.memory_space<vmem_shared>> -> memref<632x16xf32, #tpu.memory_space<vmem_shared>>
      %dma_start3A_12 = arith.constant 0 : i32
      %dma_start3A_13 = tpu.memref_slice %arg4[%mul3A_2, %dma_start3A_12] : memref<10112x16xf32, #tpu.memory_space<hbm>> -> memref<632x16xf32, #tpu.memory_space<hbm>>
      tpu.enqueue_dma source(%dma_start3A_13 : memref<632x16xf32, #tpu.memory_space<hbm>>) target(%dma_start3A_11 : memref<632x16xf32, #tpu.memory_space<vmem_shared>>) target_semaphore(%run_scoped3A : memref<!tpu.dma_semaphore, #tpu.memory_space<semaphore_mem>>)
      %dma_wait3A = arith.constant 0 : i32
      %dma_wait3A_14 = tpu.memref_slice %arg6[%mul3A_2, %dma_wait3A] : memref<10112x16xf32, #tpu.memory_space<vmem_shared>> -> memref<632x16xf32, #tpu.memory_space<vmem_shared>>
      %dma_wait3A_15 = arith.constant 0 : i32
      %dma_wait3A_16 = tpu.memref_slice %arg4[%mul3A_2, %dma_wait3A_15] : memref<10112x16xf32, #tpu.memory_space<hbm>> -> memref<632x16xf32, #tpu.memory_space<hbm>>
      tpu.wait_dma2 semaphore(%run_scoped3A : memref<!tpu.dma_semaphore, #tpu.memory_space<semaphore_mem>>) src(%dma_wait3A_16 : memref<632x16xf32, #tpu.memory_space<hbm>>) dst(%dma_wait3A_14 : memref<632x16xf32, #tpu.memory_space<vmem_shared>>)
      tpu.yield
    }) : () -> ()
    %barrier3A = arith.constant 0 : index
    tpu.barrier barrier_id(%barrier3A)
    %scan3A = arith.constant 0 : i32
    %scan3A_3 = arith.constant 79 : i32
    %scan3A_4 = arith.addi %scan3A, %scan3A_3 : i32
    %scan3A_5 = arith.constant 1 : i32
    scf.for %scan3A_11 = %scan3A to %scan3A_4 step %scan3A_5  : i32 {
      %mul3A_12 = arith.constant 1 : i32
      %mul3A_13 = arith.muli %scan3A_11, %mul3A_12 : i32
      %add3A_14 = arith.constant 0 : i32
      %add3A_15 = arith.addi %add3A_14, %mul3A_13 : i32
      "tpu.region"() ({
        %run_scoped3A = tpu.sem_alloc : memref<!tpu.dma_semaphore, #tpu.memory_space<semaphore_mem>>
        %dma_start3A = arith.constant 0 : i32
        %dma_start3A_16 = tpu.memref_slice %arg7[%add3A_15, %dma_start3A] : memref<79x128xi32, #tpu.memory_space<vmem>> -> memref<1x128xi32, #tpu.memory_space<vmem>>
        %dma_start3A_17 = tpu.memref_squeeze %dma_start3A_16 : memref<1x128xi32, #tpu.memory_space<vmem>> -> memref<128xi32, #tpu.memory_space<vmem>>
        %dma_start3A_18 = arith.constant 0 : i32
        %dma_start3A_19 = arith.constant 0 : i32
        %dma_start3A_20 = tpu.memref_slice %arg6[%dma_start3A_18, %dma_start3A_19] : memref<10112x16xf32, #tpu.memory_space<vmem_shared>> -> memref<10112x16xf32, #tpu.memory_space<vmem_shared>>
        tpu.enqueue_indirect_dma source(%arg8 : memref<128x16xf32, #tpu.memory_space<vmem>>) target(%dma_start3A_20 : memref<10112x16xf32, #tpu.memory_space<vmem_shared>>) offsets(%dma_start3A_17 : memref<128xi32, #tpu.memory_space<vmem>>) semaphore(%run_scoped3A : memref<!tpu.dma_semaphore, #tpu.memory_space<semaphore_mem>>) {add = true}
        %dma_wait3A = arith.constant 0 : i32
        %dma_wait3A_21 = tpu.memref_slice %arg7[%add3A_15, %dma_wait3A] : memref<79x128xi32, #tpu.memory_space<vmem>> -> memref<1x128xi32, #tpu.memory_space<vmem>>
        %dma_wait3A_22 = tpu.memref_squeeze %dma_wait3A_21 : memref<1x128xi32, #tpu.memory_space<vmem>> -> memref<128xi32, #tpu.memory_space<vmem>>
        %dma_wait3A_23 = arith.constant 0 : i32
        %dma_wait3A_24 = arith.constant 0 : i32
        %dma_wait3A_25 = tpu.memref_slice %arg6[%dma_wait3A_23, %dma_wait3A_24] : memref<10112x16xf32, #tpu.memory_space<vmem_shared>> -> memref<10112x16xf32, #tpu.memory_space<vmem_shared>>
        tpu.wait_indirect_dma semaphore(%run_scoped3A : memref<!tpu.dma_semaphore, #tpu.memory_space<semaphore_mem>>) src(%arg8 : memref<128x16xf32, #tpu.memory_space<vmem>>) dst(%dma_wait3A_25 : memref<10112x16xf32, #tpu.memory_space<vmem_shared>>)
        tpu.yield
      }) : () -> ()
    }
    %scan3A_6 = arith.constant 79 : i32
    %barrier3A_7 = arith.constant 0 : index
    tpu.barrier barrier_id(%barrier3A_7)
    %mul3A_8 = arith.constant 10112 : i32
    %mul3A_9 = arith.muli %arg0, %mul3A_8 : i32
    %add3A_10 = arith.addi %mul3A_9, %mul3A_2 : i32
    "tpu.region"() ({
      %run_scoped3A = tpu.sem_alloc : memref<!tpu.dma_semaphore, #tpu.memory_space<semaphore_mem>>
      %dma_start3A = arith.constant 0 : i32
      %dma_start3A_11 = tpu.memref_slice %arg5[%add3A_10, %dma_start3A] : memref<20224x16xf32, #tpu.memory_space<hbm>> -> memref<632x16xf32, #tpu.memory_space<hbm>>
      %dma_start3A_12 = arith.constant 0 : i32
      %dma_start3A_13 = tpu.memref_slice %arg6[%mul3A_2, %dma_start3A_12] : memref<10112x16xf32, #tpu.memory_space<vmem_shared>> -> memref<632x16xf32, #tpu.memory_space<vmem_shared>>
      tpu.enqueue_dma source(%dma_start3A_13 : memref<632x16xf32, #tpu.memory_space<vmem_shared>>) target(%dma_start3A_11 : memref<632x16xf32, #tpu.memory_space<hbm>>) target_semaphore(%run_scoped3A : memref<!tpu.dma_semaphore, #tpu.memory_space<semaphore_mem>>)
      %dma_wait3A = arith.constant 0 : i32
      %dma_wait3A_14 = tpu.memref_slice %arg5[%add3A_10, %dma_wait3A] : memref<20224x16xf32, #tpu.memory_space<hbm>> -> memref<632x16xf32, #tpu.memory_space<hbm>>
      %dma_wait3A_15 = arith.constant 0 : i32
      %dma_wait3A_16 = tpu.memref_slice %arg6[%mul3A_2, %dma_wait3A_15] : memref<10112x16xf32, #tpu.memory_space<vmem_shared>> -> memref<632x16xf32, #tpu.memory_space<vmem_shared>>
      tpu.wait_dma2 semaphore(%run_scoped3A : memref<!tpu.dma_semaphore, #tpu.memory_space<semaphore_mem>>) src(%dma_wait3A_16 : memref<632x16xf32, #tpu.memory_space<vmem_shared>>) dst(%dma_wait3A_14 : memref<632x16xf32, #tpu.memory_space<hbm>>)
      tpu.yield
    }) : () -> ()
    return
  }
}

#map = affine_map<(d0, d1) -> (0, 0)>
#map1 = affine_map<(d0, d1) -> (0, 0, 0)>
module attributes {stable_mosaic.version = 14 : i64} {
  func.func @_scatter_es(%arg0: i32, %arg1: i32, %arg2: memref<10112x128xf32, #tpu.memory_space<hbm>>, %arg3: memref<32x158x64xi32, #tpu.memory_space<hbm>>, %arg4: memref<32x158x64xi32, #tpu.memory_space<hbm>>, %arg5: memref<10112x128xf32, #tpu.memory_space<hbm>>, %arg6: memref<20224x128xf32, #tpu.memory_space<hbm>>, %arg7: memref<10112x128xf32, #tpu.memory_space<vmem_shared>>, %arg8: memref<158x64xi32, #tpu.memory_space<vmem>>, %arg9: memref<158x64xi32, #tpu.memory_space<vmem>>, %arg10: memref<64x128xf32, #tpu.memory_space<vmem>>, %arg11: memref<!tpu.dma_semaphore, #tpu.memory_space<semaphore_mem>>) attributes {dimension_semantics = [#tpu.dimension_semantics<core_parallel>, #tpu.dimension_semantics<subcore_parallel>], iteration_bounds = array<i64: 2, 16>, scalar_prefetch = 0 : i64, scratch_operands = 5 : i64, tpu.core_type = #tpu.core_type<sc_vector_subcore>, window_params = [{transform_indices = #map}, {transform_indices = #map1}, {transform_indices = #map1}, {transform_indices = #map}, {transform_indices = #map}]} {
    %mul3A = arith.constant 16 : i32
    %mul3A_0 = arith.muli %arg0, %mul3A : i32
    %add3A = arith.addi %mul3A_0, %arg1 : i32
    %mul3A_1 = arith.constant 632 : i32
    %mul3A_2 = arith.muli %arg1, %mul3A_1 : i32
    "tpu.region"() ({
      %run_scoped3A = tpu.sem_alloc : memref<!tpu.dma_semaphore, #tpu.memory_space<semaphore_mem>>
      %dma_start3A = arith.constant 0 : i32
      %dma_start3A_18 = arith.constant 0 : i32
      %dma_start3A_19 = tpu.memref_slice %arg3[%add3A, %dma_start3A, %dma_start3A_18] : memref<32x158x64xi32, #tpu.memory_space<hbm>> -> memref<1x158x64xi32, #tpu.memory_space<hbm>>
      %dma_start3A_20 = tpu.memref_squeeze %dma_start3A_19 : memref<1x158x64xi32, #tpu.memory_space<hbm>> -> memref<158x64xi32, #tpu.memory_space<hbm>>
      %dma_start3A_21 = arith.constant 0 : i32
      %dma_start3A_22 = arith.constant 0 : i32
      %dma_start3A_23 = tpu.memref_slice %arg3[%add3A, %dma_start3A_21, %dma_start3A_22] : memref<32x158x64xi32, #tpu.memory_space<hbm>> -> memref<1x158x64xi32, #tpu.memory_space<hbm>>
      %dma_start3A_24 = tpu.memref_squeeze %dma_start3A_23 : memref<1x158x64xi32, #tpu.memory_space<hbm>> -> memref<158x64xi32, #tpu.memory_space<hbm>>
      tpu.enqueue_dma source(%dma_start3A_24 : memref<158x64xi32, #tpu.memory_space<hbm>>) target(%arg8 : memref<158x64xi32, #tpu.memory_space<vmem>>) target_semaphore(%run_scoped3A : memref<!tpu.dma_semaphore, #tpu.memory_space<semaphore_mem>>)
      %dma_wait3A = arith.constant 0 : i32
      %dma_wait3A_25 = arith.constant 0 : i32
      %dma_wait3A_26 = tpu.memref_slice %arg3[%add3A, %dma_wait3A, %dma_wait3A_25] : memref<32x158x64xi32, #tpu.memory_space<hbm>> -> memref<1x158x64xi32, #tpu.memory_space<hbm>>
      %dma_wait3A_27 = tpu.memref_squeeze %dma_wait3A_26 : memref<1x158x64xi32, #tpu.memory_space<hbm>> -> memref<158x64xi32, #tpu.memory_space<hbm>>
      %dma_wait3A_28 = arith.constant 0 : i32
      %dma_wait3A_29 = arith.constant 0 : i32
      %dma_wait3A_30 = tpu.memref_slice %arg3[%add3A, %dma_wait3A_28, %dma_wait3A_29] : memref<32x158x64xi32, #tpu.memory_space<hbm>> -> memref<1x158x64xi32, #tpu.memory_space<hbm>>
      %dma_wait3A_31 = tpu.memref_squeeze %dma_wait3A_30 : memref<1x158x64xi32, #tpu.memory_space<hbm>> -> memref<158x64xi32, #tpu.memory_space<hbm>>
      tpu.wait_dma2 semaphore(%run_scoped3A : memref<!tpu.dma_semaphore, #tpu.memory_space<semaphore_mem>>) src(%dma_wait3A_31 : memref<158x64xi32, #tpu.memory_space<hbm>>) dst(%arg8 : memref<158x64xi32, #tpu.memory_space<vmem>>)
      tpu.yield
    }) : () -> ()
    "tpu.region"() ({
      %run_scoped3A = tpu.sem_alloc : memref<!tpu.dma_semaphore, #tpu.memory_space<semaphore_mem>>
      %dma_start3A = arith.constant 0 : i32
      %dma_start3A_18 = arith.constant 0 : i32
      %dma_start3A_19 = tpu.memref_slice %arg4[%add3A, %dma_start3A, %dma_start3A_18] : memref<32x158x64xi32, #tpu.memory_space<hbm>> -> memref<1x158x64xi32, #tpu.memory_space<hbm>>
      %dma_start3A_20 = tpu.memref_squeeze %dma_start3A_19 : memref<1x158x64xi32, #tpu.memory_space<hbm>> -> memref<158x64xi32, #tpu.memory_space<hbm>>
      %dma_start3A_21 = arith.constant 0 : i32
      %dma_start3A_22 = arith.constant 0 : i32
      %dma_start3A_23 = tpu.memref_slice %arg4[%add3A, %dma_start3A_21, %dma_start3A_22] : memref<32x158x64xi32, #tpu.memory_space<hbm>> -> memref<1x158x64xi32, #tpu.memory_space<hbm>>
      %dma_start3A_24 = tpu.memref_squeeze %dma_start3A_23 : memref<1x158x64xi32, #tpu.memory_space<hbm>> -> memref<158x64xi32, #tpu.memory_space<hbm>>
      tpu.enqueue_dma source(%dma_start3A_24 : memref<158x64xi32, #tpu.memory_space<hbm>>) target(%arg9 : memref<158x64xi32, #tpu.memory_space<vmem>>) target_semaphore(%run_scoped3A : memref<!tpu.dma_semaphore, #tpu.memory_space<semaphore_mem>>)
      %dma_wait3A = arith.constant 0 : i32
      %dma_wait3A_25 = arith.constant 0 : i32
      %dma_wait3A_26 = tpu.memref_slice %arg4[%add3A, %dma_wait3A, %dma_wait3A_25] : memref<32x158x64xi32, #tpu.memory_space<hbm>> -> memref<1x158x64xi32, #tpu.memory_space<hbm>>
      %dma_wait3A_27 = tpu.memref_squeeze %dma_wait3A_26 : memref<1x158x64xi32, #tpu.memory_space<hbm>> -> memref<158x64xi32, #tpu.memory_space<hbm>>
      %dma_wait3A_28 = arith.constant 0 : i32
      %dma_wait3A_29 = arith.constant 0 : i32
      %dma_wait3A_30 = tpu.memref_slice %arg4[%add3A, %dma_wait3A_28, %dma_wait3A_29] : memref<32x158x64xi32, #tpu.memory_space<hbm>> -> memref<1x158x64xi32, #tpu.memory_space<hbm>>
      %dma_wait3A_31 = tpu.memref_squeeze %dma_wait3A_30 : memref<1x158x64xi32, #tpu.memory_space<hbm>> -> memref<158x64xi32, #tpu.memory_space<hbm>>
      tpu.wait_dma2 semaphore(%run_scoped3A : memref<!tpu.dma_semaphore, #tpu.memory_space<semaphore_mem>>) src(%dma_wait3A_31 : memref<158x64xi32, #tpu.memory_space<hbm>>) dst(%arg9 : memref<158x64xi32, #tpu.memory_space<vmem>>)
      tpu.yield
    }) : () -> ()
    %eq3A = arith.constant 0 : i32
    %eq3A_3 = arith.cmpi eq, %arg0, %eq3A : i32
    %convert_element_type3A = arith.extui %eq3A_3 : i1 to i32
    %cond3A = arith.constant 0 : i32
    %cond3A_4 = arith.cmpi ne, %convert_element_type3A, %cond3A : i32
    scf.if %cond3A_4 {
      "tpu.region"() ({
        %run_scoped3A = tpu.sem_alloc : memref<!tpu.dma_semaphore, #tpu.memory_space<semaphore_mem>>
        %dma_start3A = arith.constant 0 : i32
        %dma_start3A_18 = tpu.memref_slice %arg7[%mul3A_2, %dma_start3A] : memref<10112x128xf32, #tpu.memory_space<vmem_shared>> -> memref<632x128xf32, #tpu.memory_space<vmem_shared>>
        %dma_start3A_19 = arith.constant 0 : i32
        %dma_start3A_20 = tpu.memref_slice %arg2[%mul3A_2, %dma_start3A_19] : memref<10112x128xf32, #tpu.memory_space<hbm>> -> memref<632x128xf32, #tpu.memory_space<hbm>>
        tpu.enqueue_dma source(%dma_start3A_20 : memref<632x128xf32, #tpu.memory_space<hbm>>) target(%dma_start3A_18 : memref<632x128xf32, #tpu.memory_space<vmem_shared>>) target_semaphore(%run_scoped3A : memref<!tpu.dma_semaphore, #tpu.memory_space<semaphore_mem>>)
        %dma_wait3A = arith.constant 0 : i32
        %dma_wait3A_21 = tpu.memref_slice %arg7[%mul3A_2, %dma_wait3A] : memref<10112x128xf32, #tpu.memory_space<vmem_shared>> -> memref<632x128xf32, #tpu.memory_space<vmem_shared>>
        %dma_wait3A_22 = arith.constant 0 : i32
        %dma_wait3A_23 = tpu.memref_slice %arg2[%mul3A_2, %dma_wait3A_22] : memref<10112x128xf32, #tpu.memory_space<hbm>> -> memref<632x128xf32, #tpu.memory_space<hbm>>
        tpu.wait_dma2 semaphore(%run_scoped3A : memref<!tpu.dma_semaphore, #tpu.memory_space<semaphore_mem>>) src(%dma_wait3A_23 : memref<632x128xf32, #tpu.memory_space<hbm>>) dst(%dma_wait3A_21 : memref<632x128xf32, #tpu.memory_space<vmem_shared>>)
        tpu.yield
      }) : () -> ()
    } else {
    }
    %eq3A_5 = arith.constant 1 : i32
    %eq3A_6 = arith.cmpi eq, %arg0, %eq3A_5 : i32
    %convert_element_type3A_7 = arith.extui %eq3A_6 : i1 to i32
    %cond3A_8 = arith.constant 0 : i32
    %cond3A_9 = arith.cmpi ne, %convert_element_type3A_7, %cond3A_8 : i32
    scf.if %cond3A_9 {
      "tpu.region"() ({
        %run_scoped3A = tpu.sem_alloc : memref<!tpu.dma_semaphore, #tpu.memory_space<semaphore_mem>>
        %dma_start3A = arith.constant 0 : i32
        %dma_start3A_18 = tpu.memref_slice %arg7[%mul3A_2, %dma_start3A] : memref<10112x128xf32, #tpu.memory_space<vmem_shared>> -> memref<632x128xf32, #tpu.memory_space<vmem_shared>>
        %dma_start3A_19 = arith.constant 0 : i32
        %dma_start3A_20 = tpu.memref_slice %arg5[%mul3A_2, %dma_start3A_19] : memref<10112x128xf32, #tpu.memory_space<hbm>> -> memref<632x128xf32, #tpu.memory_space<hbm>>
        tpu.enqueue_dma source(%dma_start3A_20 : memref<632x128xf32, #tpu.memory_space<hbm>>) target(%dma_start3A_18 : memref<632x128xf32, #tpu.memory_space<vmem_shared>>) target_semaphore(%run_scoped3A : memref<!tpu.dma_semaphore, #tpu.memory_space<semaphore_mem>>)
        %dma_wait3A = arith.constant 0 : i32
        %dma_wait3A_21 = tpu.memref_slice %arg7[%mul3A_2, %dma_wait3A] : memref<10112x128xf32, #tpu.memory_space<vmem_shared>> -> memref<632x128xf32, #tpu.memory_space<vmem_shared>>
        %dma_wait3A_22 = arith.constant 0 : i32
        %dma_wait3A_23 = tpu.memref_slice %arg5[%mul3A_2, %dma_wait3A_22] : memref<10112x128xf32, #tpu.memory_space<hbm>> -> memref<632x128xf32, #tpu.memory_space<hbm>>
        tpu.wait_dma2 semaphore(%run_scoped3A : memref<!tpu.dma_semaphore, #tpu.memory_space<semaphore_mem>>) src(%dma_wait3A_23 : memref<632x128xf32, #tpu.memory_space<hbm>>) dst(%dma_wait3A_21 : memref<632x128xf32, #tpu.memory_space<vmem_shared>>)
        tpu.yield
      }) : () -> ()
    } else {
    }
    %barrier3A = arith.constant 0 : index
    tpu.barrier barrier_id(%barrier3A)
    %scan3A = arith.constant 0 : i32
    %scan3A_10 = arith.constant 158 : i32
    %scan3A_11 = arith.addi %scan3A, %scan3A_10 : i32
    %scan3A_12 = arith.constant 1 : i32
    scf.for %scan3A_18 = %scan3A to %scan3A_11 step %scan3A_12  : i32 {
      %mul3A_19 = arith.constant 1 : i32
      %mul3A_20 = arith.muli %scan3A_18, %mul3A_19 : i32
      %add3A_21 = arith.constant 0 : i32
      %add3A_22 = arith.addi %add3A_21, %mul3A_20 : i32
      %dma_start3A = arith.constant 0 : i32
      %dma_start3A_23 = tpu.memref_slice %arg8[%add3A_22, %dma_start3A] : memref<158x64xi32, #tpu.memory_space<vmem>> -> memref<1x64xi32, #tpu.memory_space<vmem>>
      %dma_start3A_24 = tpu.memref_squeeze %dma_start3A_23 : memref<1x64xi32, #tpu.memory_space<vmem>> -> memref<64xi32, #tpu.memory_space<vmem>>
      %dma_start3A_25 = arith.constant 0 : i32
      %dma_start3A_26 = arith.constant 0 : i32
      %dma_start3A_27 = tpu.memref_slice %arg2[%dma_start3A_25, %dma_start3A_26] : memref<10112x128xf32, #tpu.memory_space<hbm>> -> memref<10112x128xf32, #tpu.memory_space<hbm>>
      tpu.enqueue_indirect_dma source(%dma_start3A_27 : memref<10112x128xf32, #tpu.memory_space<hbm>>) target(%arg10 : memref<64x128xf32, #tpu.memory_space<vmem>>) offsets(%dma_start3A_24 : memref<64xi32, #tpu.memory_space<vmem>>) semaphore(%arg11 : memref<!tpu.dma_semaphore, #tpu.memory_space<semaphore_mem>>)
      %dma_wait3A = arith.constant 0 : i32
      %dma_wait3A_28 = tpu.memref_slice %arg8[%add3A_22, %dma_wait3A] : memref<158x64xi32, #tpu.memory_space<vmem>> -> memref<1x64xi32, #tpu.memory_space<vmem>>
      %dma_wait3A_29 = tpu.memref_squeeze %dma_wait3A_28 : memref<1x64xi32, #tpu.memory_space<vmem>> -> memref<64xi32, #tpu.memory_space<vmem>>
      %dma_wait3A_30 = arith.constant 0 : i32
      %dma_wait3A_31 = arith.constant 0 : i32
      %dma_wait3A_32 = tpu.memref_slice %arg2[%dma_wait3A_30, %dma_wait3A_31] : memref<10112x128xf32, #tpu.memory_space<hbm>> -> memref<10112x128xf32, #tpu.memory_space<hbm>>
      tpu.wait_indirect_dma semaphore(%arg11 : memref<!tpu.dma_semaphore, #tpu.memory_space<semaphore_mem>>) src(%dma_wait3A_32 : memref<10112x128xf32, #tpu.memory_space<hbm>>) dst(%arg10 : memref<64x128xf32, #tpu.memory_space<vmem>>)
      "tpu.region"() ({
        %run_scoped3A = tpu.sem_alloc : memref<!tpu.dma_semaphore, #tpu.memory_space<semaphore_mem>>
        %dma_start3A_33 = arith.constant 0 : i32
        %dma_start3A_34 = tpu.memref_slice %arg9[%add3A_22, %dma_start3A_33] : memref<158x64xi32, #tpu.memory_space<vmem>> -> memref<1x64xi32, #tpu.memory_space<vmem>>
        %dma_start3A_35 = tpu.memref_squeeze %dma_start3A_34 : memref<1x64xi32, #tpu.memory_space<vmem>> -> memref<64xi32, #tpu.memory_space<vmem>>
        %dma_start3A_36 = arith.constant 0 : i32
        %dma_start3A_37 = arith.constant 0 : i32
        %dma_start3A_38 = tpu.memref_slice %arg7[%dma_start3A_36, %dma_start3A_37] : memref<10112x128xf32, #tpu.memory_space<vmem_shared>> -> memref<10112x128xf32, #tpu.memory_space<vmem_shared>>
        tpu.enqueue_indirect_dma source(%arg10 : memref<64x128xf32, #tpu.memory_space<vmem>>) target(%dma_start3A_38 : memref<10112x128xf32, #tpu.memory_space<vmem_shared>>) offsets(%dma_start3A_35 : memref<64xi32, #tpu.memory_space<vmem>>) semaphore(%run_scoped3A : memref<!tpu.dma_semaphore, #tpu.memory_space<semaphore_mem>>) {add = true}
        %dma_wait3A_39 = arith.constant 0 : i32
        %dma_wait3A_40 = tpu.memref_slice %arg9[%add3A_22, %dma_wait3A_39] : memref<158x64xi32, #tpu.memory_space<vmem>> -> memref<1x64xi32, #tpu.memory_space<vmem>>
        %dma_wait3A_41 = tpu.memref_squeeze %dma_wait3A_40 : memref<1x64xi32, #tpu.memory_space<vmem>> -> memref<64xi32, #tpu.memory_space<vmem>>
        %dma_wait3A_42 = arith.constant 0 : i32
        %dma_wait3A_43 = arith.constant 0 : i32
        %dma_wait3A_44 = tpu.memref_slice %arg7[%dma_wait3A_42, %dma_wait3A_43] : memref<10112x128xf32, #tpu.memory_space<vmem_shared>> -> memref<10112x128xf32, #tpu.memory_space<vmem_shared>>
        tpu.wait_indirect_dma semaphore(%run_scoped3A : memref<!tpu.dma_semaphore, #tpu.memory_space<semaphore_mem>>) src(%arg10 : memref<64x128xf32, #tpu.memory_space<vmem>>) dst(%dma_wait3A_44 : memref<10112x128xf32, #tpu.memory_space<vmem_shared>>)
        tpu.yield
      }) : () -> ()
    }
    %scan3A_13 = arith.constant 158 : i32
    %barrier3A_14 = arith.constant 0 : index
    tpu.barrier barrier_id(%barrier3A_14)
    %mul3A_15 = arith.constant 10112 : i32
    %mul3A_16 = arith.muli %arg0, %mul3A_15 : i32
    %add3A_17 = arith.addi %mul3A_16, %mul3A_2 : i32
    "tpu.region"() ({
      %run_scoped3A = tpu.sem_alloc : memref<!tpu.dma_semaphore, #tpu.memory_space<semaphore_mem>>
      %dma_start3A = arith.constant 0 : i32
      %dma_start3A_18 = tpu.memref_slice %arg6[%add3A_17, %dma_start3A] : memref<20224x128xf32, #tpu.memory_space<hbm>> -> memref<632x128xf32, #tpu.memory_space<hbm>>
      %dma_start3A_19 = arith.constant 0 : i32
      %dma_start3A_20 = tpu.memref_slice %arg7[%mul3A_2, %dma_start3A_19] : memref<10112x128xf32, #tpu.memory_space<vmem_shared>> -> memref<632x128xf32, #tpu.memory_space<vmem_shared>>
      tpu.enqueue_dma source(%dma_start3A_20 : memref<632x128xf32, #tpu.memory_space<vmem_shared>>) target(%dma_start3A_18 : memref<632x128xf32, #tpu.memory_space<hbm>>) target_semaphore(%run_scoped3A : memref<!tpu.dma_semaphore, #tpu.memory_space<semaphore_mem>>)
      %dma_wait3A = arith.constant 0 : i32
      %dma_wait3A_21 = tpu.memref_slice %arg6[%add3A_17, %dma_wait3A] : memref<20224x128xf32, #tpu.memory_space<hbm>> -> memref<632x128xf32, #tpu.memory_space<hbm>>
      %dma_wait3A_22 = arith.constant 0 : i32
      %dma_wait3A_23 = tpu.memref_slice %arg7[%mul3A_2, %dma_wait3A_22] : memref<10112x128xf32, #tpu.memory_space<vmem_shared>> -> memref<632x128xf32, #tpu.memory_space<vmem_shared>>
      tpu.wait_dma2 semaphore(%run_scoped3A : memref<!tpu.dma_semaphore, #tpu.memory_space<semaphore_mem>>) src(%dma_wait3A_23 : memref<632x128xf32, #tpu.memory_space<vmem_shared>>) dst(%dma_wait3A_21 : memref<632x128xf32, #tpu.memory_space<hbm>>)
      tpu.yield
    }) : () -> ()
    return
  }
}

#map = affine_map<(d0, d1) -> (0, 0)>
#map1 = affine_map<(d0, d1) -> (0, 0, 0)>
module attributes {stable_mosaic.version = 14 : i64} {
  func.func @_scatter_fs(%arg0: i32, %arg1: i32, %arg2: memref<20224x128xf32, #tpu.memory_space<hbm>>, %arg3: memref<32x316x64xi32, #tpu.memory_space<hbm>>, %arg4: memref<16x316x64xi32, #tpu.memory_space<hbm>>, %arg5: memref<20224x128xf32, #tpu.memory_space<hbm>>, %arg6: memref<10112x128xf32, #tpu.memory_space<vmem_shared>>, %arg7: memref<316x64xi32, #tpu.memory_space<vmem>>, %arg8: memref<316x64xi32, #tpu.memory_space<vmem>>, %arg9: memref<64x128xf32, #tpu.memory_space<vmem>>, %arg10: memref<!tpu.dma_semaphore, #tpu.memory_space<semaphore_mem>>) attributes {dimension_semantics = [#tpu.dimension_semantics<core_parallel>, #tpu.dimension_semantics<subcore_parallel>], iteration_bounds = array<i64: 2, 16>, scalar_prefetch = 0 : i64, scratch_operands = 5 : i64, tpu.core_type = #tpu.core_type<sc_vector_subcore>, window_params = [{transform_indices = #map}, {transform_indices = #map1}, {transform_indices = #map1}, {transform_indices = #map}]} {
    %mul3A = arith.constant 16 : i32
    %mul3A_0 = arith.muli %arg0, %mul3A : i32
    %add3A = arith.addi %mul3A_0, %arg1 : i32
    %mul3A_1 = arith.constant 632 : i32
    %mul3A_2 = arith.muli %arg1, %mul3A_1 : i32
    "tpu.region"() ({
      %run_scoped3A = tpu.sem_alloc : memref<!tpu.dma_semaphore, #tpu.memory_space<semaphore_mem>>
      %dma_start3A = arith.constant 0 : i32
      %dma_start3A_14 = arith.constant 0 : i32
      %dma_start3A_15 = tpu.memref_slice %arg3[%add3A, %dma_start3A, %dma_start3A_14] : memref<32x316x64xi32, #tpu.memory_space<hbm>> -> memref<1x316x64xi32, #tpu.memory_space<hbm>>
      %dma_start3A_16 = tpu.memref_squeeze %dma_start3A_15 : memref<1x316x64xi32, #tpu.memory_space<hbm>> -> memref<316x64xi32, #tpu.memory_space<hbm>>
      %dma_start3A_17 = arith.constant 0 : i32
      %dma_start3A_18 = arith.constant 0 : i32
      %dma_start3A_19 = tpu.memref_slice %arg3[%add3A, %dma_start3A_17, %dma_start3A_18] : memref<32x316x64xi32, #tpu.memory_space<hbm>> -> memref<1x316x64xi32, #tpu.memory_space<hbm>>
      %dma_start3A_20 = tpu.memref_squeeze %dma_start3A_19 : memref<1x316x64xi32, #tpu.memory_space<hbm>> -> memref<316x64xi32, #tpu.memory_space<hbm>>
      tpu.enqueue_dma source(%dma_start3A_20 : memref<316x64xi32, #tpu.memory_space<hbm>>) target(%arg7 : memref<316x64xi32, #tpu.memory_space<vmem>>) target_semaphore(%run_scoped3A : memref<!tpu.dma_semaphore, #tpu.memory_space<semaphore_mem>>)
      %dma_wait3A = arith.constant 0 : i32
      %dma_wait3A_21 = arith.constant 0 : i32
      %dma_wait3A_22 = tpu.memref_slice %arg3[%add3A, %dma_wait3A, %dma_wait3A_21] : memref<32x316x64xi32, #tpu.memory_space<hbm>> -> memref<1x316x64xi32, #tpu.memory_space<hbm>>
      %dma_wait3A_23 = tpu.memref_squeeze %dma_wait3A_22 : memref<1x316x64xi32, #tpu.memory_space<hbm>> -> memref<316x64xi32, #tpu.memory_space<hbm>>
      %dma_wait3A_24 = arith.constant 0 : i32
      %dma_wait3A_25 = arith.constant 0 : i32
      %dma_wait3A_26 = tpu.memref_slice %arg3[%add3A, %dma_wait3A_24, %dma_wait3A_25] : memref<32x316x64xi32, #tpu.memory_space<hbm>> -> memref<1x316x64xi32, #tpu.memory_space<hbm>>
      %dma_wait3A_27 = tpu.memref_squeeze %dma_wait3A_26 : memref<1x316x64xi32, #tpu.memory_space<hbm>> -> memref<316x64xi32, #tpu.memory_space<hbm>>
      tpu.wait_dma2 semaphore(%run_scoped3A : memref<!tpu.dma_semaphore, #tpu.memory_space<semaphore_mem>>) src(%dma_wait3A_27 : memref<316x64xi32, #tpu.memory_space<hbm>>) dst(%arg7 : memref<316x64xi32, #tpu.memory_space<vmem>>)
      tpu.yield
    }) : () -> ()
    "tpu.region"() ({
      %run_scoped3A = tpu.sem_alloc : memref<!tpu.dma_semaphore, #tpu.memory_space<semaphore_mem>>
      %dma_start3A = arith.constant 0 : i32
      %dma_start3A_14 = arith.constant 0 : i32
      %dma_start3A_15 = tpu.memref_slice %arg4[%arg1, %dma_start3A, %dma_start3A_14] : memref<16x316x64xi32, #tpu.memory_space<hbm>> -> memref<1x316x64xi32, #tpu.memory_space<hbm>>
      %dma_start3A_16 = tpu.memref_squeeze %dma_start3A_15 : memref<1x316x64xi32, #tpu.memory_space<hbm>> -> memref<316x64xi32, #tpu.memory_space<hbm>>
      %dma_start3A_17 = arith.constant 0 : i32
      %dma_start3A_18 = arith.constant 0 : i32
      %dma_start3A_19 = tpu.memref_slice %arg4[%arg1, %dma_start3A_17, %dma_start3A_18] : memref<16x316x64xi32, #tpu.memory_space<hbm>> -> memref<1x316x64xi32, #tpu.memory_space<hbm>>
      %dma_start3A_20 = tpu.memref_squeeze %dma_start3A_19 : memref<1x316x64xi32, #tpu.memory_space<hbm>> -> memref<316x64xi32, #tpu.memory_space<hbm>>
      tpu.enqueue_dma source(%dma_start3A_20 : memref<316x64xi32, #tpu.memory_space<hbm>>) target(%arg8 : memref<316x64xi32, #tpu.memory_space<vmem>>) target_semaphore(%run_scoped3A : memref<!tpu.dma_semaphore, #tpu.memory_space<semaphore_mem>>)
      %dma_wait3A = arith.constant 0 : i32
      %dma_wait3A_21 = arith.constant 0 : i32
      %dma_wait3A_22 = tpu.memref_slice %arg4[%arg1, %dma_wait3A, %dma_wait3A_21] : memref<16x316x64xi32, #tpu.memory_space<hbm>> -> memref<1x316x64xi32, #tpu.memory_space<hbm>>
      %dma_wait3A_23 = tpu.memref_squeeze %dma_wait3A_22 : memref<1x316x64xi32, #tpu.memory_space<hbm>> -> memref<316x64xi32, #tpu.memory_space<hbm>>
      %dma_wait3A_24 = arith.constant 0 : i32
      %dma_wait3A_25 = arith.constant 0 : i32
      %dma_wait3A_26 = tpu.memref_slice %arg4[%arg1, %dma_wait3A_24, %dma_wait3A_25] : memref<16x316x64xi32, #tpu.memory_space<hbm>> -> memref<1x316x64xi32, #tpu.memory_space<hbm>>
      %dma_wait3A_27 = tpu.memref_squeeze %dma_wait3A_26 : memref<1x316x64xi32, #tpu.memory_space<hbm>> -> memref<316x64xi32, #tpu.memory_space<hbm>>
      tpu.wait_dma2 semaphore(%run_scoped3A : memref<!tpu.dma_semaphore, #tpu.memory_space<semaphore_mem>>) src(%dma_wait3A_27 : memref<316x64xi32, #tpu.memory_space<hbm>>) dst(%arg8 : memref<316x64xi32, #tpu.memory_space<vmem>>)
      tpu.yield
    }) : () -> ()
    %mul3A_3 = arith.constant 10112 : i32
    %mul3A_4 = arith.muli %arg0, %mul3A_3 : i32
    %add3A_5 = arith.addi %mul3A_4, %mul3A_2 : i32
    "tpu.region"() ({
      %run_scoped3A = tpu.sem_alloc : memref<!tpu.dma_semaphore, #tpu.memory_space<semaphore_mem>>
      %dma_start3A = arith.constant 0 : i32
      %dma_start3A_14 = tpu.memref_slice %arg6[%mul3A_2, %dma_start3A] : memref<10112x128xf32, #tpu.memory_space<vmem_shared>> -> memref<632x128xf32, #tpu.memory_space<vmem_shared>>
      %dma_start3A_15 = arith.constant 0 : i32
      %dma_start3A_16 = tpu.memref_slice %arg2[%add3A_5, %dma_start3A_15] : memref<20224x128xf32, #tpu.memory_space<hbm>> -> memref<632x128xf32, #tpu.memory_space<hbm>>
      tpu.enqueue_dma source(%dma_start3A_16 : memref<632x128xf32, #tpu.memory_space<hbm>>) target(%dma_start3A_14 : memref<632x128xf32, #tpu.memory_space<vmem_shared>>) target_semaphore(%run_scoped3A : memref<!tpu.dma_semaphore, #tpu.memory_space<semaphore_mem>>)
      %dma_wait3A = arith.constant 0 : i32
      %dma_wait3A_17 = tpu.memref_slice %arg6[%mul3A_2, %dma_wait3A] : memref<10112x128xf32, #tpu.memory_space<vmem_shared>> -> memref<632x128xf32, #tpu.memory_space<vmem_shared>>
      %dma_wait3A_18 = arith.constant 0 : i32
      %dma_wait3A_19 = tpu.memref_slice %arg2[%add3A_5, %dma_wait3A_18] : memref<20224x128xf32, #tpu.memory_space<hbm>> -> memref<632x128xf32, #tpu.memory_space<hbm>>
      tpu.wait_dma2 semaphore(%run_scoped3A : memref<!tpu.dma_semaphore, #tpu.memory_space<semaphore_mem>>) src(%dma_wait3A_19 : memref<632x128xf32, #tpu.memory_space<hbm>>) dst(%dma_wait3A_17 : memref<632x128xf32, #tpu.memory_space<vmem_shared>>)
      tpu.yield
    }) : () -> ()
    %barrier3A = arith.constant 0 : index
    tpu.barrier barrier_id(%barrier3A)
    %scan3A = arith.constant 0 : i32
    %scan3A_6 = arith.constant 316 : i32
    %scan3A_7 = arith.addi %scan3A, %scan3A_6 : i32
    %scan3A_8 = arith.constant 1 : i32
    scf.for %scan3A_14 = %scan3A to %scan3A_7 step %scan3A_8  : i32 {
      %mul3A_15 = arith.constant 1 : i32
      %mul3A_16 = arith.muli %scan3A_14, %mul3A_15 : i32
      %add3A_17 = arith.constant 0 : i32
      %add3A_18 = arith.addi %add3A_17, %mul3A_16 : i32
      %dma_start3A = arith.constant 0 : i32
      %dma_start3A_19 = tpu.memref_slice %arg7[%add3A_18, %dma_start3A] : memref<316x64xi32, #tpu.memory_space<vmem>> -> memref<1x64xi32, #tpu.memory_space<vmem>>
      %dma_start3A_20 = tpu.memref_squeeze %dma_start3A_19 : memref<1x64xi32, #tpu.memory_space<vmem>> -> memref<64xi32, #tpu.memory_space<vmem>>
      %dma_start3A_21 = arith.constant 0 : i32
      %dma_start3A_22 = arith.constant 0 : i32
      %dma_start3A_23 = tpu.memref_slice %arg2[%dma_start3A_21, %dma_start3A_22] : memref<20224x128xf32, #tpu.memory_space<hbm>> -> memref<20224x128xf32, #tpu.memory_space<hbm>>
      tpu.enqueue_indirect_dma source(%dma_start3A_23 : memref<20224x128xf32, #tpu.memory_space<hbm>>) target(%arg9 : memref<64x128xf32, #tpu.memory_space<vmem>>) offsets(%dma_start3A_20 : memref<64xi32, #tpu.memory_space<vmem>>) semaphore(%arg10 : memref<!tpu.dma_semaphore, #tpu.memory_space<semaphore_mem>>)
      %dma_wait3A = arith.constant 0 : i32
      %dma_wait3A_24 = tpu.memref_slice %arg7[%add3A_18, %dma_wait3A] : memref<316x64xi32, #tpu.memory_space<vmem>> -> memref<1x64xi32, #tpu.memory_space<vmem>>
      %dma_wait3A_25 = tpu.memref_squeeze %dma_wait3A_24 : memref<1x64xi32, #tpu.memory_space<vmem>> -> memref<64xi32, #tpu.memory_space<vmem>>
      %dma_wait3A_26 = arith.constant 0 : i32
      %dma_wait3A_27 = arith.constant 0 : i32
      %dma_wait3A_28 = tpu.memref_slice %arg2[%dma_wait3A_26, %dma_wait3A_27] : memref<20224x128xf32, #tpu.memory_space<hbm>> -> memref<20224x128xf32, #tpu.memory_space<hbm>>
      tpu.wait_indirect_dma semaphore(%arg10 : memref<!tpu.dma_semaphore, #tpu.memory_space<semaphore_mem>>) src(%dma_wait3A_28 : memref<20224x128xf32, #tpu.memory_space<hbm>>) dst(%arg9 : memref<64x128xf32, #tpu.memory_space<vmem>>)
      "tpu.region"() ({
        %run_scoped3A = tpu.sem_alloc : memref<!tpu.dma_semaphore, #tpu.memory_space<semaphore_mem>>
        %dma_start3A_29 = arith.constant 0 : i32
        %dma_start3A_30 = tpu.memref_slice %arg8[%add3A_18, %dma_start3A_29] : memref<316x64xi32, #tpu.memory_space<vmem>> -> memref<1x64xi32, #tpu.memory_space<vmem>>
        %dma_start3A_31 = tpu.memref_squeeze %dma_start3A_30 : memref<1x64xi32, #tpu.memory_space<vmem>> -> memref<64xi32, #tpu.memory_space<vmem>>
        %dma_start3A_32 = arith.constant 0 : i32
        %dma_start3A_33 = arith.constant 0 : i32
        %dma_start3A_34 = tpu.memref_slice %arg6[%dma_start3A_32, %dma_start3A_33] : memref<10112x128xf32, #tpu.memory_space<vmem_shared>> -> memref<10112x128xf32, #tpu.memory_space<vmem_shared>>
        tpu.enqueue_indirect_dma source(%arg9 : memref<64x128xf32, #tpu.memory_space<vmem>>) target(%dma_start3A_34 : memref<10112x128xf32, #tpu.memory_space<vmem_shared>>) offsets(%dma_start3A_31 : memref<64xi32, #tpu.memory_space<vmem>>) semaphore(%run_scoped3A : memref<!tpu.dma_semaphore, #tpu.memory_space<semaphore_mem>>) {add = true}
        %dma_wait3A_35 = arith.constant 0 : i32
        %dma_wait3A_36 = tpu.memref_slice %arg8[%add3A_18, %dma_wait3A_35] : memref<316x64xi32, #tpu.memory_space<vmem>> -> memref<1x64xi32, #tpu.memory_space<vmem>>
        %dma_wait3A_37 = tpu.memref_squeeze %dma_wait3A_36 : memref<1x64xi32, #tpu.memory_space<vmem>> -> memref<64xi32, #tpu.memory_space<vmem>>
        %dma_wait3A_38 = arith.constant 0 : i32
        %dma_wait3A_39 = arith.constant 0 : i32
        %dma_wait3A_40 = tpu.memref_slice %arg6[%dma_wait3A_38, %dma_wait3A_39] : memref<10112x128xf32, #tpu.memory_space<vmem_shared>> -> memref<10112x128xf32, #tpu.memory_space<vmem_shared>>
        tpu.wait_indirect_dma semaphore(%run_scoped3A : memref<!tpu.dma_semaphore, #tpu.memory_space<semaphore_mem>>) src(%arg9 : memref<64x128xf32, #tpu.memory_space<vmem>>) dst(%dma_wait3A_40 : memref<10112x128xf32, #tpu.memory_space<vmem_shared>>)
        tpu.yield
      }) : () -> ()
    }
    %scan3A_9 = arith.constant 316 : i32
    %barrier3A_10 = arith.constant 0 : index
    tpu.barrier barrier_id(%barrier3A_10)
    %mul3A_11 = arith.constant 10112 : i32
    %mul3A_12 = arith.muli %arg0, %mul3A_11 : i32
    %add3A_13 = arith.addi %mul3A_12, %mul3A_2 : i32
    "tpu.region"() ({
      %run_scoped3A = tpu.sem_alloc : memref<!tpu.dma_semaphore, #tpu.memory_space<semaphore_mem>>
      %dma_start3A = arith.constant 0 : i32
      %dma_start3A_14 = tpu.memref_slice %arg5[%add3A_13, %dma_start3A] : memref<20224x128xf32, #tpu.memory_space<hbm>> -> memref<632x128xf32, #tpu.memory_space<hbm>>
      %dma_start3A_15 = arith.constant 0 : i32
      %dma_start3A_16 = tpu.memref_slice %arg6[%mul3A_2, %dma_start3A_15] : memref<10112x128xf32, #tpu.memory_space<vmem_shared>> -> memref<632x128xf32, #tpu.memory_space<vmem_shared>>
      tpu.enqueue_dma source(%dma_start3A_16 : memref<632x128xf32, #tpu.memory_space<vmem_shared>>) target(%dma_start3A_14 : memref<632x128xf32, #tpu.memory_space<hbm>>) target_semaphore(%run_scoped3A : memref<!tpu.dma_semaphore, #tpu.memory_space<semaphore_mem>>)
      %dma_wait3A = arith.constant 0 : i32
      %dma_wait3A_17 = tpu.memref_slice %arg5[%add3A_13, %dma_wait3A] : memref<20224x128xf32, #tpu.memory_space<hbm>> -> memref<632x128xf32, #tpu.memory_space<hbm>>
      %dma_wait3A_18 = arith.constant 0 : i32
      %dma_wait3A_19 = tpu.memref_slice %arg6[%mul3A_2, %dma_wait3A_18] : memref<10112x128xf32, #tpu.memory_space<vmem_shared>> -> memref<632x128xf32, #tpu.memory_space<vmem_shared>>
      tpu.wait_dma2 semaphore(%run_scoped3A : memref<!tpu.dma_semaphore, #tpu.memory_space<semaphore_mem>>) src(%dma_wait3A_19 : memref<632x128xf32, #tpu.memory_space<vmem_shared>>) dst(%dma_wait3A_17 : memref<632x128xf32, #tpu.memory_space<hbm>>)
      tpu.yield
    }) : () -> ()
    return
  }
}

#map = affine_map<(d0, d1) -> (0, 0)>
#map1 = affine_map<(d0, d1) -> (0, 0, 0)>
module attributes {stable_mosaic.version = 14 : i64} {
  func.func @_scatter_fs(%arg0: i32, %arg1: i32, %arg2: memref<20224x128xf32, #tpu.memory_space<hbm>>, %arg3: memref<32x316x64xi32, #tpu.memory_space<hbm>>, %arg4: memref<16x316x64xi32, #tpu.memory_space<hbm>>, %arg5: memref<20224x128xf32, #tpu.memory_space<hbm>>, %arg6: memref<10112x128xf32, #tpu.memory_space<vmem_shared>>, %arg7: memref<316x64xi32, #tpu.memory_space<vmem>>, %arg8: memref<316x64xi32, #tpu.memory_space<vmem>>, %arg9: memref<64x128xf32, #tpu.memory_space<vmem>>, %arg10: memref<!tpu.dma_semaphore, #tpu.memory_space<semaphore_mem>>) attributes {dimension_semantics = [#tpu.dimension_semantics<core_parallel>, #tpu.dimension_semantics<subcore_parallel>], iteration_bounds = array<i64: 2, 16>, scalar_prefetch = 0 : i64, scratch_operands = 5 : i64, tpu.core_type = #tpu.core_type<sc_vector_subcore>, window_params = [{transform_indices = #map}, {transform_indices = #map1}, {transform_indices = #map1}, {transform_indices = #map}]} {
    %mul3A = arith.constant 16 : i32
    %mul3A_0 = arith.muli %arg0, %mul3A : i32
    %add3A = arith.addi %mul3A_0, %arg1 : i32
    %mul3A_1 = arith.constant 632 : i32
    %mul3A_2 = arith.muli %arg1, %mul3A_1 : i32
    "tpu.region"() ({
      %run_scoped3A = tpu.sem_alloc : memref<!tpu.dma_semaphore, #tpu.memory_space<semaphore_mem>>
      %dma_start3A = arith.constant 0 : i32
      %dma_start3A_14 = arith.constant 0 : i32
      %dma_start3A_15 = tpu.memref_slice %arg3[%add3A, %dma_start3A, %dma_start3A_14] : memref<32x316x64xi32, #tpu.memory_space<hbm>> -> memref<1x316x64xi32, #tpu.memory_space<hbm>>
      %dma_start3A_16 = tpu.memref_squeeze %dma_start3A_15 : memref<1x316x64xi32, #tpu.memory_space<hbm>> -> memref<316x64xi32, #tpu.memory_space<hbm>>
      %dma_start3A_17 = arith.constant 0 : i32
      %dma_start3A_18 = arith.constant 0 : i32
      %dma_start3A_19 = tpu.memref_slice %arg3[%add3A, %dma_start3A_17, %dma_start3A_18] : memref<32x316x64xi32, #tpu.memory_space<hbm>> -> memref<1x316x64xi32, #tpu.memory_space<hbm>>
      %dma_start3A_20 = tpu.memref_squeeze %dma_start3A_19 : memref<1x316x64xi32, #tpu.memory_space<hbm>> -> memref<316x64xi32, #tpu.memory_space<hbm>>
      tpu.enqueue_dma source(%dma_start3A_20 : memref<316x64xi32, #tpu.memory_space<hbm>>) target(%arg7 : memref<316x64xi32, #tpu.memory_space<vmem>>) target_semaphore(%run_scoped3A : memref<!tpu.dma_semaphore, #tpu.memory_space<semaphore_mem>>)
      %dma_wait3A = arith.constant 0 : i32
      %dma_wait3A_21 = arith.constant 0 : i32
      %dma_wait3A_22 = tpu.memref_slice %arg3[%add3A, %dma_wait3A, %dma_wait3A_21] : memref<32x316x64xi32, #tpu.memory_space<hbm>> -> memref<1x316x64xi32, #tpu.memory_space<hbm>>
      %dma_wait3A_23 = tpu.memref_squeeze %dma_wait3A_22 : memref<1x316x64xi32, #tpu.memory_space<hbm>> -> memref<316x64xi32, #tpu.memory_space<hbm>>
      %dma_wait3A_24 = arith.constant 0 : i32
      %dma_wait3A_25 = arith.constant 0 : i32
      %dma_wait3A_26 = tpu.memref_slice %arg3[%add3A, %dma_wait3A_24, %dma_wait3A_25] : memref<32x316x64xi32, #tpu.memory_space<hbm>> -> memref<1x316x64xi32, #tpu.memory_space<hbm>>
      %dma_wait3A_27 = tpu.memref_squeeze %dma_wait3A_26 : memref<1x316x64xi32, #tpu.memory_space<hbm>> -> memref<316x64xi32, #tpu.memory_space<hbm>>
      tpu.wait_dma2 semaphore(%run_scoped3A : memref<!tpu.dma_semaphore, #tpu.memory_space<semaphore_mem>>) src(%dma_wait3A_27 : memref<316x64xi32, #tpu.memory_space<hbm>>) dst(%arg7 : memref<316x64xi32, #tpu.memory_space<vmem>>)
      tpu.yield
    }) : () -> ()
    "tpu.region"() ({
      %run_scoped3A = tpu.sem_alloc : memref<!tpu.dma_semaphore, #tpu.memory_space<semaphore_mem>>
      %dma_start3A = arith.constant 0 : i32
      %dma_start3A_14 = arith.constant 0 : i32
      %dma_start3A_15 = tpu.memref_slice %arg4[%arg1, %dma_start3A, %dma_start3A_14] : memref<16x316x64xi32, #tpu.memory_space<hbm>> -> memref<1x316x64xi32, #tpu.memory_space<hbm>>
      %dma_start3A_16 = tpu.memref_squeeze %dma_start3A_15 : memref<1x316x64xi32, #tpu.memory_space<hbm>> -> memref<316x64xi32, #tpu.memory_space<hbm>>
      %dma_start3A_17 = arith.constant 0 : i32
      %dma_start3A_18 = arith.constant 0 : i32
      %dma_start3A_19 = tpu.memref_slice %arg4[%arg1, %dma_start3A_17, %dma_start3A_18] : memref<16x316x64xi32, #tpu.memory_space<hbm>> -> memref<1x316x64xi32, #tpu.memory_space<hbm>>
      %dma_start3A_20 = tpu.memref_squeeze %dma_start3A_19 : memref<1x316x64xi32, #tpu.memory_space<hbm>> -> memref<316x64xi32, #tpu.memory_space<hbm>>
      tpu.enqueue_dma source(%dma_start3A_20 : memref<316x64xi32, #tpu.memory_space<hbm>>) target(%arg8 : memref<316x64xi32, #tpu.memory_space<vmem>>) target_semaphore(%run_scoped3A : memref<!tpu.dma_semaphore, #tpu.memory_space<semaphore_mem>>)
      %dma_wait3A = arith.constant 0 : i32
      %dma_wait3A_21 = arith.constant 0 : i32
      %dma_wait3A_22 = tpu.memref_slice %arg4[%arg1, %dma_wait3A, %dma_wait3A_21] : memref<16x316x64xi32, #tpu.memory_space<hbm>> -> memref<1x316x64xi32, #tpu.memory_space<hbm>>
      %dma_wait3A_23 = tpu.memref_squeeze %dma_wait3A_22 : memref<1x316x64xi32, #tpu.memory_space<hbm>> -> memref<316x64xi32, #tpu.memory_space<hbm>>
      %dma_wait3A_24 = arith.constant 0 : i32
      %dma_wait3A_25 = arith.constant 0 : i32
      %dma_wait3A_26 = tpu.memref_slice %arg4[%arg1, %dma_wait3A_24, %dma_wait3A_25] : memref<16x316x64xi32, #tpu.memory_space<hbm>> -> memref<1x316x64xi32, #tpu.memory_space<hbm>>
      %dma_wait3A_27 = tpu.memref_squeeze %dma_wait3A_26 : memref<1x316x64xi32, #tpu.memory_space<hbm>> -> memref<316x64xi32, #tpu.memory_space<hbm>>
      tpu.wait_dma2 semaphore(%run_scoped3A : memref<!tpu.dma_semaphore, #tpu.memory_space<semaphore_mem>>) src(%dma_wait3A_27 : memref<316x64xi32, #tpu.memory_space<hbm>>) dst(%arg8 : memref<316x64xi32, #tpu.memory_space<vmem>>)
      tpu.yield
    }) : () -> ()
    %mul3A_3 = arith.constant 10112 : i32
    %mul3A_4 = arith.muli %arg0, %mul3A_3 : i32
    %add3A_5 = arith.addi %mul3A_4, %mul3A_2 : i32
    "tpu.region"() ({
      %run_scoped3A = tpu.sem_alloc : memref<!tpu.dma_semaphore, #tpu.memory_space<semaphore_mem>>
      %dma_start3A = arith.constant 0 : i32
      %dma_start3A_14 = tpu.memref_slice %arg6[%mul3A_2, %dma_start3A] : memref<10112x128xf32, #tpu.memory_space<vmem_shared>> -> memref<632x128xf32, #tpu.memory_space<vmem_shared>>
      %dma_start3A_15 = arith.constant 0 : i32
      %dma_start3A_16 = tpu.memref_slice %arg2[%add3A_5, %dma_start3A_15] : memref<20224x128xf32, #tpu.memory_space<hbm>> -> memref<632x128xf32, #tpu.memory_space<hbm>>
      tpu.enqueue_dma source(%dma_start3A_16 : memref<632x128xf32, #tpu.memory_space<hbm>>) target(%dma_start3A_14 : memref<632x128xf32, #tpu.memory_space<vmem_shared>>) target_semaphore(%run_scoped3A : memref<!tpu.dma_semaphore, #tpu.memory_space<semaphore_mem>>)
      %dma_wait3A = arith.constant 0 : i32
      %dma_wait3A_17 = tpu.memref_slice %arg6[%mul3A_2, %dma_wait3A] : memref<10112x128xf32, #tpu.memory_space<vmem_shared>> -> memref<632x128xf32, #tpu.memory_space<vmem_shared>>
      %dma_wait3A_18 = arith.constant 0 : i32
      %dma_wait3A_19 = tpu.memref_slice %arg2[%add3A_5, %dma_wait3A_18] : memref<20224x128xf32, #tpu.memory_space<hbm>> -> memref<632x128xf32, #tpu.memory_space<hbm>>
      tpu.wait_dma2 semaphore(%run_scoped3A : memref<!tpu.dma_semaphore, #tpu.memory_space<semaphore_mem>>) src(%dma_wait3A_19 : memref<632x128xf32, #tpu.memory_space<hbm>>) dst(%dma_wait3A_17 : memref<632x128xf32, #tpu.memory_space<vmem_shared>>)
      tpu.yield
    }) : () -> ()
    %barrier3A = arith.constant 0 : index
    tpu.barrier barrier_id(%barrier3A)
    %scan3A = arith.constant 0 : i32
    %scan3A_6 = arith.constant 316 : i32
    %scan3A_7 = arith.addi %scan3A, %scan3A_6 : i32
    %scan3A_8 = arith.constant 1 : i32
    scf.for %scan3A_14 = %scan3A to %scan3A_7 step %scan3A_8  : i32 {
      %mul3A_15 = arith.constant 1 : i32
      %mul3A_16 = arith.muli %scan3A_14, %mul3A_15 : i32
      %add3A_17 = arith.constant 0 : i32
      %add3A_18 = arith.addi %add3A_17, %mul3A_16 : i32
      %dma_start3A = arith.constant 0 : i32
      %dma_start3A_19 = tpu.memref_slice %arg7[%add3A_18, %dma_start3A] : memref<316x64xi32, #tpu.memory_space<vmem>> -> memref<1x64xi32, #tpu.memory_space<vmem>>
      %dma_start3A_20 = tpu.memref_squeeze %dma_start3A_19 : memref<1x64xi32, #tpu.memory_space<vmem>> -> memref<64xi32, #tpu.memory_space<vmem>>
      %dma_start3A_21 = arith.constant 0 : i32
      %dma_start3A_22 = arith.constant 0 : i32
      %dma_start3A_23 = tpu.memref_slice %arg2[%dma_start3A_21, %dma_start3A_22] : memref<20224x128xf32, #tpu.memory_space<hbm>> -> memref<20224x128xf32, #tpu.memory_space<hbm>>
      tpu.enqueue_indirect_dma source(%dma_start3A_23 : memref<20224x128xf32, #tpu.memory_space<hbm>>) target(%arg9 : memref<64x128xf32, #tpu.memory_space<vmem>>) offsets(%dma_start3A_20 : memref<64xi32, #tpu.memory_space<vmem>>) semaphore(%arg10 : memref<!tpu.dma_semaphore, #tpu.memory_space<semaphore_mem>>)
      %dma_wait3A = arith.constant 0 : i32
      %dma_wait3A_24 = tpu.memref_slice %arg7[%add3A_18, %dma_wait3A] : memref<316x64xi32, #tpu.memory_space<vmem>> -> memref<1x64xi32, #tpu.memory_space<vmem>>
      %dma_wait3A_25 = tpu.memref_squeeze %dma_wait3A_24 : memref<1x64xi32, #tpu.memory_space<vmem>> -> memref<64xi32, #tpu.memory_space<vmem>>
      %dma_wait3A_26 = arith.constant 0 : i32
      %dma_wait3A_27 = arith.constant 0 : i32
      %dma_wait3A_28 = tpu.memref_slice %arg2[%dma_wait3A_26, %dma_wait3A_27] : memref<20224x128xf32, #tpu.memory_space<hbm>> -> memref<20224x128xf32, #tpu.memory_space<hbm>>
      tpu.wait_indirect_dma semaphore(%arg10 : memref<!tpu.dma_semaphore, #tpu.memory_space<semaphore_mem>>) src(%dma_wait3A_28 : memref<20224x128xf32, #tpu.memory_space<hbm>>) dst(%arg9 : memref<64x128xf32, #tpu.memory_space<vmem>>)
      "tpu.region"() ({
        %run_scoped3A = tpu.sem_alloc : memref<!tpu.dma_semaphore, #tpu.memory_space<semaphore_mem>>
        %dma_start3A_29 = arith.constant 0 : i32
        %dma_start3A_30 = tpu.memref_slice %arg8[%add3A_18, %dma_start3A_29] : memref<316x64xi32, #tpu.memory_space<vmem>> -> memref<1x64xi32, #tpu.memory_space<vmem>>
        %dma_start3A_31 = tpu.memref_squeeze %dma_start3A_30 : memref<1x64xi32, #tpu.memory_space<vmem>> -> memref<64xi32, #tpu.memory_space<vmem>>
        %dma_start3A_32 = arith.constant 0 : i32
        %dma_start3A_33 = arith.constant 0 : i32
        %dma_start3A_34 = tpu.memref_slice %arg6[%dma_start3A_32, %dma_start3A_33] : memref<10112x128xf32, #tpu.memory_space<vmem_shared>> -> memref<10112x128xf32, #tpu.memory_space<vmem_shared>>
        tpu.enqueue_indirect_dma source(%arg9 : memref<64x128xf32, #tpu.memory_space<vmem>>) target(%dma_start3A_34 : memref<10112x128xf32, #tpu.memory_space<vmem_shared>>) offsets(%dma_start3A_31 : memref<64xi32, #tpu.memory_space<vmem>>) semaphore(%run_scoped3A : memref<!tpu.dma_semaphore, #tpu.memory_space<semaphore_mem>>) {add = true}
        %dma_wait3A_35 = arith.constant 0 : i32
        %dma_wait3A_36 = tpu.memref_slice %arg8[%add3A_18, %dma_wait3A_35] : memref<316x64xi32, #tpu.memory_space<vmem>> -> memref<1x64xi32, #tpu.memory_space<vmem>>
        %dma_wait3A_37 = tpu.memref_squeeze %dma_wait3A_36 : memref<1x64xi32, #tpu.memory_space<vmem>> -> memref<64xi32, #tpu.memory_space<vmem>>
        %dma_wait3A_38 = arith.constant 0 : i32
        %dma_wait3A_39 = arith.constant 0 : i32
        %dma_wait3A_40 = tpu.memref_slice %arg6[%dma_wait3A_38, %dma_wait3A_39] : memref<10112x128xf32, #tpu.memory_space<vmem_shared>> -> memref<10112x128xf32, #tpu.memory_space<vmem_shared>>
        tpu.wait_indirect_dma semaphore(%run_scoped3A : memref<!tpu.dma_semaphore, #tpu.memory_space<semaphore_mem>>) src(%arg9 : memref<64x128xf32, #tpu.memory_space<vmem>>) dst(%dma_wait3A_40 : memref<10112x128xf32, #tpu.memory_space<vmem_shared>>)
        tpu.yield
      }) : () -> ()
    }
    %scan3A_9 = arith.constant 316 : i32
    %barrier3A_10 = arith.constant 0 : index
    tpu.barrier barrier_id(%barrier3A_10)
    %mul3A_11 = arith.constant 10112 : i32
    %mul3A_12 = arith.muli %arg0, %mul3A_11 : i32
    %add3A_13 = arith.addi %mul3A_12, %mul3A_2 : i32
    "tpu.region"() ({
      %run_scoped3A = tpu.sem_alloc : memref<!tpu.dma_semaphore, #tpu.memory_space<semaphore_mem>>
      %dma_start3A = arith.constant 0 : i32
      %dma_start3A_14 = tpu.memref_slice %arg5[%add3A_13, %dma_start3A] : memref<20224x128xf32, #tpu.memory_space<hbm>> -> memref<632x128xf32, #tpu.memory_space<hbm>>
      %dma_start3A_15 = arith.constant 0 : i32
      %dma_start3A_16 = tpu.memref_slice %arg6[%mul3A_2, %dma_start3A_15] : memref<10112x128xf32, #tpu.memory_space<vmem_shared>> -> memref<632x128xf32, #tpu.memory_space<vmem_shared>>
      tpu.enqueue_dma source(%dma_start3A_16 : memref<632x128xf32, #tpu.memory_space<vmem_shared>>) target(%dma_start3A_14 : memref<632x128xf32, #tpu.memory_space<hbm>>) target_semaphore(%run_scoped3A : memref<!tpu.dma_semaphore, #tpu.memory_space<semaphore_mem>>)
      %dma_wait3A = arith.constant 0 : i32
      %dma_wait3A_17 = tpu.memref_slice %arg5[%add3A_13, %dma_wait3A] : memref<20224x128xf32, #tpu.memory_space<hbm>> -> memref<632x128xf32, #tpu.memory_space<hbm>>
      %dma_wait3A_18 = arith.constant 0 : i32
      %dma_wait3A_19 = tpu.memref_slice %arg6[%mul3A_2, %dma_wait3A_18] : memref<10112x128xf32, #tpu.memory_space<vmem_shared>> -> memref<632x128xf32, #tpu.memory_space<vmem_shared>>
      tpu.wait_dma2 semaphore(%run_scoped3A : memref<!tpu.dma_semaphore, #tpu.memory_space<semaphore_mem>>) src(%dma_wait3A_19 : memref<632x128xf32, #tpu.memory_space<vmem_shared>>) dst(%dma_wait3A_17 : memref<632x128xf32, #tpu.memory_space<hbm>>)
      tpu.yield
    }) : () -> ()
    return
  }
}

module attributes {stable_mosaic.version = 14 : i64} {
  func.func @_tc_a_body(%arg0: i32, %arg1: memref<400x128xf32, #tpu.memory_space<vmem>>, %arg2: memref<400x16xf32, #tpu.memory_space<vmem>>, %arg3: memref<400x16xf32, #tpu.memory_space<vmem>>, %arg4: memref<400x1xf32, #tpu.memory_space<vmem>>, %arg5: memref<400x128xf32, #tpu.memory_space<vmem>>) attributes {dimension_semantics = [#tpu.dimension_semantics<arbitrary>], iteration_bounds = array<i64: 25>, scalar_prefetch = 0 : i64, scratch_operands = 0 : i64, tpu.core_type = #tpu.core_type<tc>, window_params = [{transform_indices = @transform_0, window_bounds = array<i64: 400, 128>}, {transform_indices = @transform_1, window_bounds = array<i64: 400, 16>}, {transform_indices = @transform_2, window_bounds = array<i64: 400, 16>}, {transform_indices = @transform_3, window_bounds = array<i64: 400, 1>}, {transform_indices = @transform_4, window_bounds = array<i64: 400, 128>}]} {
    %get3A = arith.constant 0 : index
    %get3A_0 = arith.constant 0 : index
    %get3A_1 = vector.load %arg2[%get3A, %get3A_0] : memref<400x16xf32, #tpu.memory_space<vmem>>, vector<400x1xf32>
    %get3A_2 = arith.constant 0 : index
    %get3A_3 = arith.constant 0 : index
    %get3A_4 = vector.load %arg3[%get3A_2, %get3A_3] : memref<400x16xf32, #tpu.memory_space<vmem>>, vector<400x1xf32>
    %add3A = arith.addf %get3A_1, %get3A_4 : vector<400x1xf32>
    %add3A_5 = arith.constant 1.000000e+00 : f32
    %add3A_6 = vector.broadcast %add3A_5 : f32 to vector<400x1xf32>
    %add3A_7 = arith.addf %add3A, %add3A_6 : vector<400x1xf32>
    %rsqrt3A = math.rsqrt %add3A_7 : vector<400x1xf32>
    %swap3A = arith.constant 0 : index
    %swap3A_8 = arith.constant 0 : index
    %swap3A_9 = vector.load %arg4[%swap3A, %swap3A_8] : memref<400x1xf32, #tpu.memory_space<vmem>>, vector<400x1xf32>
    tpu.vector_store %arg4[%swap3A, %swap3A_8], %rsqrt3A {strides = array<i32>} : memref<400x1xf32, #tpu.memory_space<vmem>>, vector<400x1xf32>,
    %get3A_10 = arith.constant 0 : index
    %get3A_11 = arith.constant 0 : index
    %get3A_12 = vector.load %arg1[%get3A_10, %get3A_11] : memref<400x128xf32, #tpu.memory_space<vmem>>, vector<400x128xf32>
    %mul3A = vector.broadcast %rsqrt3A : vector<400x1xf32> to vector<400x128xf32>
    %mul3A_13 = arith.mulf %get3A_12, %mul3A : vector<400x128xf32>
    %swap3A_14 = arith.constant 0 : index
    %swap3A_15 = arith.constant 0 : index
    %swap3A_16 = vector.load %arg5[%swap3A_14, %swap3A_15] : memref<400x128xf32, #tpu.memory_space<vmem>>, vector<400x128xf32>
    tpu.vector_store %arg5[%swap3A_14, %swap3A_15], %mul3A_13 {strides = array<i32>} : memref<400x128xf32, #tpu.memory_space<vmem>>, vector<400x128xf32>,
    return
  }
  func.func @transform_0(%arg0: i32) -> (i32, i32) {
    %c0_i32 = arith.constant 0 : i32
    %c0_i32_0 = arith.constant 0 : i32
    return %arg0, %c0_i32 : i32, i32
  }
  func.func @transform_1(%arg0: i32) -> (i32, i32) {
    %c0_i32 = arith.constant 0 : i32
    %c0_i32_0 = arith.constant 0 : i32
    return %arg0, %c0_i32 : i32, i32
  }
  func.func @transform_2(%arg0: i32) -> (i32, i32) {
    %c0_i32 = arith.constant 0 : i32
    %c0_i32_0 = arith.constant 0 : i32
    return %arg0, %c0_i32 : i32, i32
  }
  func.func @transform_3(%arg0: i32) -> (i32, i32) {
    %c0_i32 = arith.constant 0 : i32
    %c0_i32_0 = arith.constant 0 : i32
    return %arg0, %c0_i32 : i32, i32
  }
  func.func @transform_4(%arg0: i32) -> (i32, i32) {
    %c0_i32 = arith.constant 0 : i32
    %c0_i32_0 = arith.constant 0 : i32
    return %arg0, %c0_i32 : i32, i32
  }
}

module attributes {stable_mosaic.version = 14 : i64} {
  func.func @_tc_b_body(%arg0: i32, %arg1: memref<400x128xf32, #tpu.memory_space<vmem>>, %arg2: memref<400x128xf32, #tpu.memory_space<vmem>>, %arg3: memref<400x1xf32, #tpu.memory_space<vmem>>, %arg4: memref<128x256xf32, #tpu.memory_space<vmem>>, %arg5: memref<1x256xf32, #tpu.memory_space<vmem>>, %arg6: memref<256x256xf32, #tpu.memory_space<vmem>>, %arg7: memref<400x128xf32, #tpu.memory_space<vmem>>, %arg8: memref<400x128xf32, #tpu.memory_space<vmem>>) attributes {dimension_semantics = [#tpu.dimension_semantics<arbitrary>], iteration_bounds = array<i64: 25>, scalar_prefetch = 0 : i64, scratch_operands = 0 : i64, tpu.core_type = #tpu.core_type<tc>, window_params = [{transform_indices = @transform_0, window_bounds = array<i64: 400, 128>}, {transform_indices = @transform_1, window_bounds = array<i64: 400, 128>}, {transform_indices = @transform_2, window_bounds = array<i64: 400, 1>}, {pipeline_mode = #tpu.pipeline_mode<synchronous>, transform_indices = @transform_3, window_bounds = array<i64: 128, 256>}, {pipeline_mode = #tpu.pipeline_mode<synchronous>, transform_indices = @transform_4, window_bounds = array<i64: 1, 256>}, {pipeline_mode = #tpu.pipeline_mode<synchronous>, transform_indices = @transform_5, window_bounds = array<i64: 256, 256>}, {transform_indices = @transform_6, window_bounds = array<i64: 400, 128>}, {transform_indices = @transform_7, window_bounds = array<i64: 400, 128>}]} {
    %get3A = arith.constant 0 : index
    %get3A_0 = arith.constant 0 : index
    %get3A_1 = vector.load %arg3[%get3A, %get3A_0] : memref<400x1xf32, #tpu.memory_space<vmem>>, vector<400x1xf32>
    %get3A_2 = arith.constant 0 : index
    %get3A_3 = arith.constant 0 : index
    %get3A_4 = vector.load %arg1[%get3A_2, %get3A_3] : memref<400x128xf32, #tpu.memory_space<vmem>>, vector<400x128xf32>
    %get3A_5 = arith.constant 0 : index
    %get3A_6 = arith.constant 0 : index
    %get3A_7 = vector.load %arg2[%get3A_5, %get3A_6] : memref<400x128xf32, #tpu.memory_space<vmem>>, vector<400x128xf32>
    %add3A = arith.addf %get3A_4, %get3A_7 : vector<400x128xf32>
    %mul3A = vector.broadcast %get3A_1 : vector<400x1xf32> to vector<400x128xf32>
    %mul3A_8 = arith.mulf %add3A, %mul3A : vector<400x128xf32>
    %get3A_9 = arith.constant 0 : index
    %get3A_10 = arith.constant 0 : index
    %get3A_11 = vector.load %arg4[%get3A_9, %get3A_10] : memref<128x256xf32, #tpu.memory_space<vmem>>, vector<128x256xf32>
    %dot_general3A = arith.constant dense<0.000000e+00> : vector<400x256xf32>
    %dot_general3A_12 = tpu.matmul %mul3A_8, %get3A_11, %dot_general3A {dimension_numbers = #tpu.dot_dimension_numbers<[1], [0], [0], [1], [0, 0, 1, 1], [], []>, transpose_lhs_hint = false} : vector<400x128xf32>, vector<128x256xf32>, vector<400x256xf32> -> vector<400x256xf32>
    %get3A_13 = arith.constant 0 : index
    %get3A_14 = arith.constant 0 : index
    %get3A_15 = vector.load %arg5[%get3A_13, %get3A_14] : memref<1x256xf32, #tpu.memory_space<vmem>>, vector<1x256xf32>
    %add3A_16 = vector.broadcast %get3A_15 : vector<1x256xf32> to vector<400x256xf32>
    %add3A_17 = arith.addf %dot_general3A_12, %add3A_16 : vector<400x256xf32>
    %max3A = arith.constant 0.000000e+00 : f32
    %max3A_18 = vector.broadcast %max3A : f32 to vector<400x256xf32>
    %max3A_19 = arith.maximumf %add3A_17, %max3A_18 : vector<400x256xf32>
    %get3A_20 = arith.constant 0 : index
    %get3A_21 = arith.constant 0 : index
    %get3A_22 = vector.load %arg6[%get3A_20, %get3A_21] : memref<256x256xf32, #tpu.memory_space<vmem>>, vector<256x256xf32>
    %dot_general3A_23 = arith.constant dense<0.000000e+00> : vector<400x256xf32>
    %dot_general3A_24 = tpu.matmul %max3A_19, %get3A_22, %dot_general3A_23 {dimension_numbers = #tpu.dot_dimension_numbers<[1], [0], [0], [1], [0, 0, 1, 1], [], []>, transpose_lhs_hint = false} : vector<400x256xf32>, vector<256x256xf32>, vector<400x256xf32> -> vector<400x256xf32>
    %mul3A_25 = vector.broadcast %get3A_1 : vector<400x1xf32> to vector<400x256xf32>
    %mul3A_26 = arith.mulf %dot_general3A_24, %mul3A_25 : vector<400x256xf32>
    %slice3A = vector.extract_strided_slice %mul3A_26 {offsets = [0, 0], sizes = [400, 128], strides = [1, 1]} : vector<400x256xf32> to vector<400x128xf32>
    %swap3A = arith.constant 0 : index
    %swap3A_27 = arith.constant 0 : index
    %swap3A_28 = vector.load %arg7[%swap3A, %swap3A_27] : memref<400x128xf32, #tpu.memory_space<vmem>>, vector<400x128xf32>
    tpu.vector_store %arg7[%swap3A, %swap3A_27], %slice3A {strides = array<i32>} : memref<400x128xf32, #tpu.memory_space<vmem>>, vector<400x128xf32>,
    %slice3A_29 = vector.extract_strided_slice %mul3A_26 {offsets = [0, 128], sizes = [400, 128], strides = [1, 1]} : vector<400x256xf32> to vector<400x128xf32>
    %swap3A_30 = arith.constant 0 : index
    %swap3A_31 = arith.constant 0 : index
    %swap3A_32 = vector.load %arg8[%swap3A_30, %swap3A_31] : memref<400x128xf32, #tpu.memory_space<vmem>>, vector<400x128xf32>
    tpu.vector_store %arg8[%swap3A_30, %swap3A_31], %slice3A_29 {strides = array<i32>} : memref<400x128xf32, #tpu.memory_space<vmem>>, vector<400x128xf32>,
    return
  }
  func.func @transform_0(%arg0: i32) -> (i32, i32) {
    %c0_i32 = arith.constant 0 : i32
    %c0_i32_0 = arith.constant 0 : i32
    return %arg0, %c0_i32 : i32, i32
  }
  func.func @transform_1(%arg0: i32) -> (i32, i32) {
    %c0_i32 = arith.constant 0 : i32
    %c0_i32_0 = arith.constant 0 : i32
    return %arg0, %c0_i32 : i32, i32
  }
  func.func @transform_2(%arg0: i32) -> (i32, i32) {
    %c0_i32 = arith.constant 0 : i32
    %c0_i32_0 = arith.constant 0 : i32
    return %arg0, %c0_i32 : i32, i32
  }
  func.func @transform_3(%arg0: i32) -> (i32, i32) {
    %c0_i32 = arith.constant 0 : i32
    %c0_i32_0 = arith.constant 0 : i32
    %c0_i32_1 = arith.constant 0 : i32
    return %c0_i32, %c0_i32_0 : i32, i32
  }
  func.func @transform_4(%arg0: i32) -> (i32, i32) {
    %c0_i32 = arith.constant 0 : i32
    %c0_i32_0 = arith.constant 0 : i32
    %c0_i32_1 = arith.constant 0 : i32
    return %c0_i32, %c0_i32_0 : i32, i32
  }
  func.func @transform_5(%arg0: i32) -> (i32, i32) {
    %c0_i32 = arith.constant 0 : i32
    %c0_i32_0 = arith.constant 0 : i32
    %c0_i32_1 = arith.constant 0 : i32
    return %c0_i32, %c0_i32_0 : i32, i32
  }
  func.func @transform_6(%arg0: i32) -> (i32, i32) {
    %c0_i32 = arith.constant 0 : i32
    %c0_i32_0 = arith.constant 0 : i32
    return %arg0, %c0_i32 : i32, i32
  }
  func.func @transform_7(%arg0: i32) -> (i32, i32) {
    %c0_i32 = arith.constant 0 : i32
    %c0_i32_0 = arith.constant 0 : i32
    return %arg0, %c0_i32 : i32, i32
  }
}

module attributes {stable_mosaic.version = 14 : i64} {
  func.func @_tc_c_body(%arg0: i32, %arg1: memref<400x128xf32, #tpu.memory_space<vmem>>, %arg2: memref<400x128xf32, #tpu.memory_space<vmem>>, %arg3: memref<400x1xf32, #tpu.memory_space<vmem>>, %arg4: memref<1x256xf32, #tpu.memory_space<vmem>>, %arg5: memref<256x256xf32, #tpu.memory_space<vmem>>, %arg6: memref<400x128xf32, #tpu.memory_space<vmem>>, %arg7: memref<400x128xf32, #tpu.memory_space<vmem>>) attributes {dimension_semantics = [#tpu.dimension_semantics<arbitrary>], iteration_bounds = array<i64: 25>, scalar_prefetch = 0 : i64, scratch_operands = 0 : i64, tpu.core_type = #tpu.core_type<tc>, window_params = [{transform_indices = @transform_0, window_bounds = array<i64: 400, 128>}, {transform_indices = @transform_1, window_bounds = array<i64: 400, 128>}, {transform_indices = @transform_2, window_bounds = array<i64: 400, 1>}, {pipeline_mode = #tpu.pipeline_mode<synchronous>, transform_indices = @transform_3, window_bounds = array<i64: 1, 256>}, {pipeline_mode = #tpu.pipeline_mode<synchronous>, transform_indices = @transform_4, window_bounds = array<i64: 256, 256>}, {transform_indices = @transform_5, window_bounds = array<i64: 400, 128>}, {transform_indices = @transform_6, window_bounds = array<i64: 400, 128>}]} {
    %get3A = arith.constant 0 : index
    %get3A_0 = arith.constant 0 : index
    %get3A_1 = vector.load %arg3[%get3A, %get3A_0] : memref<400x1xf32, #tpu.memory_space<vmem>>, vector<400x1xf32>
    %get3A_2 = arith.constant 0 : index
    %get3A_3 = arith.constant 0 : index
    %get3A_4 = vector.load %arg1[%get3A_2, %get3A_3] : memref<400x128xf32, #tpu.memory_space<vmem>>, vector<400x128xf32>
    %get3A_5 = arith.constant 0 : index
    %get3A_6 = arith.constant 0 : index
    %get3A_7 = vector.load %arg2[%get3A_5, %get3A_6] : memref<400x128xf32, #tpu.memory_space<vmem>>, vector<400x128xf32>
    %concatenate3A = tpu.concatenate %get3A_4, %get3A_7 in 1 : vector<400x128xf32>, vector<400x128xf32> -> vector<400x256xf32>
    %mul3A = vector.broadcast %get3A_1 : vector<400x1xf32> to vector<400x256xf32>
    %mul3A_8 = arith.mulf %concatenate3A, %mul3A : vector<400x256xf32>
    %get3A_9 = arith.constant 0 : index
    %get3A_10 = arith.constant 0 : index
    %get3A_11 = vector.load %arg4[%get3A_9, %get3A_10] : memref<1x256xf32, #tpu.memory_space<vmem>>, vector<1x256xf32>
    %add3A = vector.broadcast %get3A_11 : vector<1x256xf32> to vector<400x256xf32>
    %add3A_12 = arith.addf %mul3A_8, %add3A : vector<400x256xf32>
    %max3A = arith.constant 0.000000e+00 : f32
    %max3A_13 = vector.broadcast %max3A : f32 to vector<400x256xf32>
    %max3A_14 = arith.maximumf %add3A_12, %max3A_13 : vector<400x256xf32>
    %get3A_15 = arith.constant 0 : index
    %get3A_16 = arith.constant 0 : index
    %get3A_17 = vector.load %arg5[%get3A_15, %get3A_16] : memref<256x256xf32, #tpu.memory_space<vmem>>, vector<256x256xf32>
    %dot_general3A = arith.constant dense<0.000000e+00> : vector<400x256xf32>
    %dot_general3A_18 = tpu.matmul %max3A_14, %get3A_17, %dot_general3A {dimension_numbers = #tpu.dot_dimension_numbers<[1], [0], [0], [1], [0, 0, 1, 1], [], []>, transpose_lhs_hint = false} : vector<400x256xf32>, vector<256x256xf32>, vector<400x256xf32> -> vector<400x256xf32>
    %mul3A_19 = vector.broadcast %get3A_1 : vector<400x1xf32> to vector<400x256xf32>
    %mul3A_20 = arith.mulf %dot_general3A_18, %mul3A_19 : vector<400x256xf32>
    %slice3A = vector.extract_strided_slice %mul3A_20 {offsets = [0, 0], sizes = [400, 128], strides = [1, 1]} : vector<400x256xf32> to vector<400x128xf32>
    %swap3A = arith.constant 0 : index
    %swap3A_21 = arith.constant 0 : index
    %swap3A_22 = vector.load %arg6[%swap3A, %swap3A_21] : memref<400x128xf32, #tpu.memory_space<vmem>>, vector<400x128xf32>
    tpu.vector_store %arg6[%swap3A, %swap3A_21], %slice3A {strides = array<i32>} : memref<400x128xf32, #tpu.memory_space<vmem>>, vector<400x128xf32>,
    %slice3A_23 = vector.extract_strided_slice %mul3A_20 {offsets = [0, 128], sizes = [400, 128], strides = [1, 1]} : vector<400x256xf32> to vector<400x128xf32>
    %swap3A_24 = arith.constant 0 : index
    %swap3A_25 = arith.constant 0 : index
    %swap3A_26 = vector.load %arg7[%swap3A_24, %swap3A_25] : memref<400x128xf32, #tpu.memory_space<vmem>>, vector<400x128xf32>
    tpu.vector_store %arg7[%swap3A_24, %swap3A_25], %slice3A_23 {strides = array<i32>} : memref<400x128xf32, #tpu.memory_space<vmem>>, vector<400x128xf32>,
    return
  }
  func.func @transform_0(%arg0: i32) -> (i32, i32) {
    %c0_i32 = arith.constant 0 : i32
    %c0_i32_0 = arith.constant 0 : i32
    return %arg0, %c0_i32 : i32, i32
  }
  func.func @transform_1(%arg0: i32) -> (i32, i32) {
    %c0_i32 = arith.constant 0 : i32
    %c0_i32_0 = arith.constant 0 : i32
    return %arg0, %c0_i32 : i32, i32
  }
  func.func @transform_2(%arg0: i32) -> (i32, i32) {
    %c0_i32 = arith.constant 0 : i32
    %c0_i32_0 = arith.constant 0 : i32
    return %arg0, %c0_i32 : i32, i32
  }
  func.func @transform_3(%arg0: i32) -> (i32, i32) {
    %c0_i32 = arith.constant 0 : i32
    %c0_i32_0 = arith.constant 0 : i32
    %c0_i32_1 = arith.constant 0 : i32
    return %c0_i32, %c0_i32_0 : i32, i32
  }
  func.func @transform_4(%arg0: i32) -> (i32, i32) {
    %c0_i32 = arith.constant 0 : i32
    %c0_i32_0 = arith.constant 0 : i32
    %c0_i32_1 = arith.constant 0 : i32
    return %c0_i32, %c0_i32_0 : i32, i32
  }
  func.func @transform_5(%arg0: i32) -> (i32, i32) {
    %c0_i32 = arith.constant 0 : i32
    %c0_i32_0 = arith.constant 0 : i32
    return %arg0, %c0_i32 : i32, i32
  }
  func.func @transform_6(%arg0: i32) -> (i32, i32) {
    %c0_i32 = arith.constant 0 : i32
    %c0_i32_0 = arith.constant 0 : i32
    return %arg0, %c0_i32 : i32, i32
  }
}

module attributes {stable_mosaic.version = 14 : i64} {
  func.func @_tc_d_body(%arg0: i32, %arg1: memref<400x128xf32, #tpu.memory_space<vmem>>, %arg2: memref<400x128xf32, #tpu.memory_space<vmem>>, %arg3: memref<400x1xf32, #tpu.memory_space<vmem>>, %arg4: memref<1x256xf32, #tpu.memory_space<vmem>>, %arg5: memref<400x1xi32, #tpu.memory_space<vmem>>, %arg6: memref<256x256xf32, #tpu.memory_space<vmem>>, %arg7: memref<1x256xf32, #tpu.memory_space<vmem>>, %arg8: memref<256x128xf32, #tpu.memory_space<vmem>>, %arg9: memref<1x128xf32, #tpu.memory_space<vmem>>, %arg10: memref<128x128xf32, #tpu.memory_space<vmem>>, %arg11: memref<128x256xf32, #tpu.memory_space<vmem>>) attributes {dimension_semantics = [#tpu.dimension_semantics<arbitrary>], iteration_bounds = array<i64: 25>, scalar_prefetch = 0 : i64, scratch_operands = 1 : i64, tpu.core_type = #tpu.core_type<tc>, window_params = [{transform_indices = @transform_0, window_bounds = array<i64: 400, 128>}, {transform_indices = @transform_1, window_bounds = array<i64: 400, 128>}, {transform_indices = @transform_2, window_bounds = array<i64: 400, 1>}, {pipeline_mode = #tpu.pipeline_mode<synchronous>, transform_indices = @transform_3, window_bounds = array<i64: 1, 256>}, {transform_indices = @transform_4, window_bounds = array<i64: 400, 1>}, {pipeline_mode = #tpu.pipeline_mode<synchronous>, transform_indices = @transform_5, window_bounds = array<i64: 256, 256>}, {pipeline_mode = #tpu.pipeline_mode<synchronous>, transform_indices = @transform_6, window_bounds = array<i64: 1, 256>}, {pipeline_mode = #tpu.pipeline_mode<synchronous>, transform_indices = @transform_7, window_bounds = array<i64: 256, 128>}, {pipeline_mode = #tpu.pipeline_mode<synchronous>, transform_indices = @transform_8, window_bounds = array<i64: 1, 128>}, {pipeline_mode = #tpu.pipeline_mode<synchronous>, transform_indices = @transform_9, window_bounds = array<i64: 128, 128>}]} {
    %get3A = arith.constant 0 : index
    %get3A_0 = arith.constant 0 : index
    %get3A_1 = vector.load %arg3[%get3A, %get3A_0] : memref<400x1xf32, #tpu.memory_space<vmem>>, vector<400x1xf32>
    %get3A_2 = arith.constant 0 : index
    %get3A_3 = arith.constant 0 : index
    %get3A_4 = vector.load %arg1[%get3A_2, %get3A_3] : memref<400x128xf32, #tpu.memory_space<vmem>>, vector<400x128xf32>
    %get3A_5 = arith.constant 0 : index
    %get3A_6 = arith.constant 0 : index
    %get3A_7 = vector.load %arg2[%get3A_5, %get3A_6] : memref<400x128xf32, #tpu.memory_space<vmem>>, vector<400x128xf32>
    %concatenate3A = tpu.concatenate %get3A_4, %get3A_7 in 1 : vector<400x128xf32>, vector<400x128xf32> -> vector<400x256xf32>
    %mul3A = vector.broadcast %get3A_1 : vector<400x1xf32> to vector<400x256xf32>
    %mul3A_8 = arith.mulf %concatenate3A, %mul3A : vector<400x256xf32>
    %get3A_9 = arith.constant 0 : index
    %get3A_10 = arith.constant 0 : index
    %get3A_11 = vector.load %arg4[%get3A_9, %get3A_10] : memref<1x256xf32, #tpu.memory_space<vmem>>, vector<1x256xf32>
    %add3A = vector.broadcast %get3A_11 : vector<1x256xf32> to vector<400x256xf32>
    %add3A_12 = arith.addf %mul3A_8, %add3A : vector<400x256xf32>
    %max3A = arith.constant 0.000000e+00 : f32
    %max3A_13 = vector.broadcast %max3A : f32 to vector<400x256xf32>
    %max3A_14 = arith.maximumf %add3A_12, %max3A_13 : vector<400x256xf32>
    %iota3A = tpu.iota {dimensions = array<i32: 1>} : vector<1x128xi32>
    %get3A_15 = arith.constant 0 : index
    %get3A_16 = arith.constant 0 : index
    %get3A_17 = vector.load %arg5[%get3A_15, %get3A_16] : memref<400x1xi32, #tpu.memory_space<vmem>>, vector<400x1xi32>
    %eq3A = vector.broadcast %get3A_17 : vector<400x1xi32> to vector<400x128xi32>
    %eq3A_18 = vector.broadcast %iota3A : vector<1x128xi32> to vector<400x128xi32>
    %eq3A_19 = arith.cmpi eq, %eq3A, %eq3A_18 : vector<400x128xi32>
    %convert_element_type3A = arith.extui %eq3A_19 : vector<400x128xi1> to vector<400x128xi32>
    %convert_element_type3A_20 = arith.sitofp %convert_element_type3A : vector<400x128xi32> to vector<400x128xf32>
    %dot_general3A = arith.constant dense<0.000000e+00> : vector<128x256xf32>
    %dot_general3A_21 = tpu.matmul %convert_element_type3A_20, %max3A_14, %dot_general3A {dimension_numbers = #tpu.dot_dimension_numbers<[0], [0], [1], [1], [0, 1, 1, 1], [], []>, transpose_lhs_hint = false} : vector<400x128xf32>, vector<400x256xf32>, vector<128x256xf32> -> vector<128x256xf32>
    %eq3A_22 = arith.constant 0 : i32
    %eq3A_23 = arith.cmpi eq, %arg0, %eq3A_22 : i32
    %convert_element_type3A_24 = arith.extui %eq3A_23 : i1 to i32
    %cond3A = arith.constant 0 : i32
    %cond3A_25 = arith.cmpi ne, %convert_element_type3A_24, %cond3A : i32
    scf.if %cond3A_25 {
      %swap3A = arith.constant 0 : index
      %swap3A_35 = arith.constant 0 : index
      %swap3A_36 = vector.load %arg11[%swap3A, %swap3A_35] : memref<128x256xf32, #tpu.memory_space<vmem>>, vector<128x256xf32>
      tpu.vector_store %arg11[%swap3A, %swap3A_35], %dot_general3A_21 {strides = array<i32>} : memref<128x256xf32, #tpu.memory_space<vmem>>, vector<128x256xf32>,
    } else {
    }
    %gt3A = arith.constant 0 : i32
    %gt3A_26 = arith.cmpi sgt, %arg0, %gt3A : i32
    %convert_element_type3A_27 = arith.extui %gt3A_26 : i1 to i32
    %cond3A_28 = arith.constant 0 : i32
    %cond3A_29 = arith.cmpi ne, %convert_element_type3A_27, %cond3A_28 : i32
    scf.if %cond3A_29 {
      %get3A_35 = arith.constant 0 : index
      %get3A_36 = arith.constant 0 : index
      %get3A_37 = vector.load %arg11[%get3A_35, %get3A_36] : memref<128x256xf32, #tpu.memory_space<vmem>>, vector<128x256xf32>
      %add3A_38 = arith.addf %get3A_37, %dot_general3A_21 : vector<128x256xf32>
      %swap3A = arith.constant 0 : index
      %swap3A_39 = arith.constant 0 : index
      %swap3A_40 = vector.load %arg11[%swap3A, %swap3A_39] : memref<128x256xf32, #tpu.memory_space<vmem>>, vector<128x256xf32>
      tpu.vector_store %arg11[%swap3A, %swap3A_39], %add3A_38 {strides = array<i32>} : memref<128x256xf32, #tpu.memory_space<vmem>>, vector<128x256xf32>,
    } else {
    }
    %eq3A_30 = arith.constant 24 : i32
    %eq3A_31 = arith.cmpi eq, %arg0, %eq3A_30 : i32
    %convert_element_type3A_32 = arith.extui %eq3A_31 : i1 to i32
    %cond3A_33 = arith.constant 0 : i32
    %cond3A_34 = arith.cmpi ne, %convert_element_type3A_32, %cond3A_33 : i32
    scf.if %cond3A_34 {
      %get3A_35 = arith.constant 0 : index
      %get3A_36 = arith.constant 0 : index
      %get3A_37 = vector.load %arg11[%get3A_35, %get3A_36] : memref<128x256xf32, #tpu.memory_space<vmem>>, vector<128x256xf32>
      %get3A_38 = arith.constant 0 : index
      %get3A_39 = arith.constant 0 : index
      %get3A_40 = vector.load %arg6[%get3A_38, %get3A_39] : memref<256x256xf32, #tpu.memory_space<vmem>>, vector<256x256xf32>
      %dot_general3A_41 = arith.constant dense<0.000000e+00> : vector<128x256xf32>
      %dot_general3A_42 = tpu.matmul %get3A_37, %get3A_40, %dot_general3A_41 {dimension_numbers = #tpu.dot_dimension_numbers<[1], [0], [0], [1], [0, 0, 1, 1], [], []>, transpose_lhs_hint = false} : vector<128x256xf32>, vector<256x256xf32>, vector<128x256xf32> -> vector<128x256xf32>
      %get3A_43 = arith.constant 0 : index
      %get3A_44 = arith.constant 0 : index
      %get3A_45 = vector.load %arg7[%get3A_43, %get3A_44] : memref<1x256xf32, #tpu.memory_space<vmem>>, vector<1x256xf32>
      %add3A_46 = vector.broadcast %get3A_45 : vector<1x256xf32> to vector<128x256xf32>
      %add3A_47 = arith.addf %dot_general3A_42, %add3A_46 : vector<128x256xf32>
      %max3A_48 = arith.constant 0.000000e+00 : f32
      %max3A_49 = vector.broadcast %max3A_48 : f32 to vector<128x256xf32>
      %max3A_50 = arith.maximumf %add3A_47, %max3A_49 : vector<128x256xf32>
      %get3A_51 = arith.constant 0 : index
      %get3A_52 = arith.constant 0 : index
      %get3A_53 = vector.load %arg8[%get3A_51, %get3A_52] : memref<256x128xf32, #tpu.memory_space<vmem>>, vector<256x128xf32>
      %dot_general3A_54 = arith.constant dense<0.000000e+00> : vector<128x128xf32>
      %dot_general3A_55 = tpu.matmul %max3A_50, %get3A_53, %dot_general3A_54 {dimension_numbers = #tpu.dot_dimension_numbers<[1], [0], [0], [1], [0, 0, 1, 1], [], []>, transpose_lhs_hint = false} : vector<128x256xf32>, vector<256x128xf32>, vector<128x128xf32> -> vector<128x128xf32>
      %get3A_56 = arith.constant 0 : index
      %get3A_57 = arith.constant 0 : index
      %get3A_58 = vector.load %arg9[%get3A_56, %get3A_57] : memref<1x128xf32, #tpu.memory_space<vmem>>, vector<1x128xf32>
      %add3A_59 = vector.broadcast %get3A_58 : vector<1x128xf32> to vector<128x128xf32>
      %add3A_60 = arith.addf %dot_general3A_55, %add3A_59 : vector<128x128xf32>
      %swap3A = arith.constant 0 : index
      %swap3A_61 = arith.constant 0 : index
      %swap3A_62 = vector.load %arg10[%swap3A, %swap3A_61] : memref<128x128xf32, #tpu.memory_space<vmem>>, vector<128x128xf32>
      tpu.vector_store %arg10[%swap3A, %swap3A_61], %add3A_60 {strides = array<i32>} : memref<128x128xf32, #tpu.memory_space<vmem>>, vector<128x128xf32>,
    } else {
    }
    return
  }
  func.func @transform_0(%arg0: i32) -> (i32, i32) {
    %c0_i32 = arith.constant 0 : i32
    %c0_i32_0 = arith.constant 0 : i32
    return %arg0, %c0_i32 : i32, i32
  }
  func.func @transform_1(%arg0: i32) -> (i32, i32) {
    %c0_i32 = arith.constant 0 : i32
    %c0_i32_0 = arith.constant 0 : i32
    return %arg0, %c0_i32 : i32, i32
  }
  func.func @transform_2(%arg0: i32) -> (i32, i32) {
    %c0_i32 = arith.constant 0 : i32
    %c0_i32_0 = arith.constant 0 : i32
    return %arg0, %c0_i32 : i32, i32
  }
  func.func @transform_3(%arg0: i32) -> (i32, i32) {
    %c0_i32 = arith.constant 0 : i32
    %c0_i32_0 = arith.constant 0 : i32
    %c0_i32_1 = arith.constant 0 : i32
    return %c0_i32, %c0_i32_0 : i32, i32
  }
  func.func @transform_4(%arg0: i32) -> (i32, i32) {
    %c0_i32 = arith.constant 0 : i32
    %c0_i32_0 = arith.constant 0 : i32
    return %arg0, %c0_i32 : i32, i32
  }
  func.func @transform_5(%arg0: i32) -> (i32, i32) {
    %c0_i32 = arith.constant 0 : i32
    %c0_i32_0 = arith.constant 0 : i32
    %c0_i32_1 = arith.constant 0 : i32
    return %c0_i32, %c0_i32_0 : i32, i32
  }
  func.func @transform_6(%arg0: i32) -> (i32, i32) {
    %c0_i32 = arith.constant 0 : i32
    %c0_i32_0 = arith.constant 0 : i32
    %c0_i32_1 = arith.constant 0 : i32
    return %c0_i32, %c0_i32_0 : i32, i32
  }
  func.func @transform_7(%arg0: i32) -> (i32, i32) {
    %c0_i32 = arith.constant 0 : i32
    %c0_i32_0 = arith.constant 0 : i32
    %c0_i32_1 = arith.constant 0 : i32
    return %c0_i32, %c0_i32_0 : i32, i32
  }
  func.func @transform_8(%arg0: i32) -> (i32, i32) {
    %c0_i32 = arith.constant 0 : i32
    %c0_i32_0 = arith.constant 0 : i32
    %c0_i32_1 = arith.constant 0 : i32
    return %c0_i32, %c0_i32_0 : i32, i32
  }
  func.func @transform_9(%arg0: i32) -> (i32, i32) {
    %c0_i32 = arith.constant 0 : i32
    %c0_i32_0 = arith.constant 0 : i32
    %c0_i32_1 = arith.constant 0 : i32
    return %c0_i32, %c0_i32_0 : i32, i32
  }
}

</mosaic_0001>

<sc_bundles>
// kernel: kernel.10.cloned.1.call-start
scs
__scs_entry_jumppad:
0x0: {  	(pc) =	sbr.rel $0x88, $3  }
0x1: {  	(tag) =	ssettag $0x0;
	lr =	simm.s32 $0x1  }
0x2: {  	[smem:$0x3F94] =	sst lr;
	_ =	strace $0xD0000000  }
0x3: {  	_ = 	snop  }
0x4: {  	_ = 	snop  }
0x5: {  	_ = 	snop  }
0x6: {  	_ = 	snop  }
0x7: {  	_ = 	snop  }
__scs_overlays_trampoline_lowered:
0x8: {  	[smem:$0x3FA3] =	sst s0  }
0x9: {  	[smem:$0x3FA4] =	sst s1  }
0xa: {  	[smem:$0x3FA5] =	sst s2  }
0xb: {  	[smem:$0x3FA6] =	sst s3  }
0xc: {  	[smem:$0x3FA7] =	sst s4  }
0xd: {  	[smem:$0x3FA8] =	sst s5  }
0xe: {  	[smem:$0x3FA9] =	sst s6  }
0xf: {  	[smem:$0x3FAA] =	sst s7  }
0x10: {  	[smem:$0x3FAB] =	sst s8  }
0x11: {  	[smem:$0x3FAC] =	sst s9;
	s0 =	simm.s32 @!p0 $0x0  }
0x12: {  	s1 =	sld [smem:$0x3F92];
	s0 =	simm.s32 @p0 $0x1  }
0x13: {  	[smem:$0x3FAD] =	sst s0;
	s0 =	simm.s32 @!p1 $0x0  }
0x14: {  	s2 =	sld [smem:$0x3F91];
	s0 =	simm.s32 @p1 $0x1  }
0x15: {  	[smem:$0x3FAE] =	sst s0;
	s0 =	simm.s32 @!p2 $0x0  }
0x16: {  	s3 =	sld [smem:$0x3FDB];
	s0 =	simm.s32 @p2 $0x1  }
0x17: {  	s4 =	simm.s32 $0x1BF5;
	[smem:$0x3FB0] =	sst s0  }
0x18: {  	s0 =	sld [smem:$0x3F93];
	_ =	swait.ge [sflag:s4], $0x0  }
0x19: {  	s7 =	sld [smem:$0x3F94]  }
0x1a: {  	s8 =	sadd.s32 $0xFFFFE003, lr  }
0x1b: {  	s9 =	sadd.s32 $0xFFFFFEF7, lr;
	s5 =	simm.s32 $0xFFFFFFFF;
	p2 =	slt.u32 s8, $0xFFFFF086  }
0x1c: {  	p1 =	slt.u32 s9, $0xF7A;
	s5 =	simm.s32 @!p2 $0x0  }
0x1d: {  	s5 =	simm.s32 @p1 $0x1;
	p0 =	seq.s32 s7, s2  }
0x1e: {  	s7 =	smul.u32 @!p0 $0xF7A, s2;
	p2 =	seq.s32 @!p0 s5, $0x0  }
0x1f: {  	s9 =	smul.u32 $0xF7A, s1;
	s8 =	simm.s32 @!p0 $0x1BF5;
	p2 =	por !p2, p0  }
0x20: {  	[sflag:s8] =	ssyncset.s32 @!p0 $0xFFFFF086;
	s6 =	sadd.s32 @!p0 s3, s7;
	s7 =	simm.s32 @!p0 $0x108  }
0x21: {  	s3 =	sadd.s32 s3, s9;
	s6 =	sadd.s32 @!p0 $0x88, s6;
	s7 =	simm.s32 @p2 $0x1082  }
0x22: {  	[simem:s7], [sflag:s8] =	dma.local @!p0 [hbm:s6], $0xF7A  }
0x23: {  	s9 =	sor.u32 $0xD0000000, s2;
	s6 =	simm.s32 $0x108;
	_ =	swait.ge @!p0 [sflag:s8], $0x0  }
0x24: {  	s3 =	sadd.s32 $0x88, s3;
	s6 =	simm.s32 @!p1 $0x1082;
	[sflag:s4] =	ssyncset.s32 $0xFFFFF086  }
0x25: {  	[simem:s6], [sflag:s4] =	dma.local [hbm:s3], $0xF7A  }
0x26: {  	[smem:$0x3F94] =	sst s1;
	(tag) =	ssettag s2;
	_ =	strace s9  }
0x27: {  	s1 =	sld [smem:$0x3FA4]  }
0x28: {  	s2 =	sld [smem:$0x3FA5]  }
0x29: {  	s4 =	sld [smem:$0x3FA7]  }
0x2a: {  	p0 =	seq.s32 s5, $0x0;
	s5 =	sld [smem:$0x3FA8]  }
0x2b: {  	s6 =	sld [smem:$0x3FA9]  }
0x2c: {  	s7 =	sld [smem:$0x3FAA]  }
0x2d: {  	s3 =	simm.s32 $0x108;
	s8 =	sld [smem:$0x3FAB]  }
0x2e: {  	s3 =	simm.s32 @!p0 $0x1082;
	s9 =	sld [smem:$0x3FAC]  }
0x2f: {  	lr =	sadd.s32 s0, s3;
	s0 =	sld [smem:$0x3FA3]  }
0x30: {  	s3 =	sld [smem:$0x3FA6]  }
0x31: {  	[smem:$0x3FAF] =	sst s10  }
0x32: {  	s10 =	sld [smem:$0x3FAD];
	_ =	sdelay $0x3  }
0x33: {  	p0 =	seq.s32 s10, $0x1;
	s10 =	sld [smem:$0x3FAF];
	_ =	sdelay $0x3  }
0x34: {  	[smem:$0x3FAF] =	sst s10  }
0x35: {  	s10 =	sld [smem:$0x3FAE];
	_ =	sdelay $0x3  }
0x36: {  	p1 =	seq.s32 s10, $0x1;
	s10 =	sld [smem:$0x3FAF];
	_ =	sdelay $0x3  }
0x37: {  	[smem:$0x3FAF] =	sst s10  }
0x38: {  	s10 =	sld [smem:$0x3FB0]  }
0x39: {  	_ = 	snop;
	(pc) =	sbr.ind lr, $3  }
0x3a: {  	_ = 	snop  }
0x3b: {  	_ = 	snop  }
0x3c: {  	p2 =	seq.s32 s10, $0x1;
	s10 =	sld [smem:$0x3FAF]  }
0x3d: {  	_ =	shalt  }
0x3e: {  	_ =	shalt  }
0x3f: {  	_ =	shalt  }
0x40: {  	_ =	shalt  }
0x41: {  	_ =	shalt  }
0x42: {  	_ =	shalt  }
0x43: {  	_ =	shalt  }
0x44: {  	_ =	shalt  }
0x45: {  	_ =	shalt  }
0x46: {  	_ =	shalt  }
0x47: {  	_ =	shalt  }
0x48: {  	_ =	shalt  }
0x49: {  	_ =	shalt  }
0x4a: {  	_ =	shalt  }
0x4b: {  	_ =	shalt  }
0x4c: {  	_ =	shalt  }
0x4d: {  	_ =	shalt  }
0x4e: {  	_ =	shalt  }
0x4f: {  	_ =	shalt  }
0x50: {  	_ =	shalt  }
0x51: {  	_ =	shalt  }
0x52: {  	_ =	shalt  }
0x53: {  	_ =	shalt  }
0x54: {  	_ =	shalt  }
0x55: {  	_ =	shalt  }
0x56: {  	_ =	shalt  }
0x57: {  	_ =	shalt  }
0x58: {  	_ =	shalt  }
0x59: {  	_ =	shalt  }
0x5a: {  	_ =	shalt  }
0x5b: {  	_ =	shalt  }
0x5c: {  	_ =	shalt  }
0x5d: {  	_ =	shalt  }
0x5e: {  	_ =	shalt  }
0x5f: {  	_ =	shalt  }
0x60: {  	_ =	shalt  }
0x61: {  	_ =	shalt  }
0x62: {  	_ =	shalt  }
0x63: {  	_ =	shalt  }
0x64: {  	_ =	shalt  }
0x65: {  	_ =	shalt  }
0x66: {  	_ =	shalt  }
0x67: {  	_ =	shalt  }
0x68: {  	_ =	shalt  }
0x69: {  	_ =	shalt  }
0x6a: {  	_ =	shalt  }
0x6b: {  	_ =	shalt  }
0x6c: {  	_ =	shalt  }
0x6d: {  	_ =	shalt  }
0x6e: {  	_ =	shalt  }
0x6f: {  	_ =	shalt  }
0x70: {  	_ =	shalt  }
0x71: {  	_ =	shalt  }
0x72: {  	_ =	shalt  }
0x73: {  	_ =	shalt  }
0x74: {  	_ =	shalt  }
0x75: {  	_ =	shalt  }
0x76: {  	_ =	shalt  }
0x77: {  	_ =	shalt  }
0x78: {  	_ =	shalt  }
0x79: {  	_ =	shalt  }
0x7a: {  	_ =	shalt  }
0x7b: {  	_ =	shalt  }
0x7c: {  	_ =	shalt  }
0x7d: {  	_ =	shalt  }
0x7e: {  	_ =	shalt  }
0x7f: {  	_ =	shalt  }
0x80: {  	_ =	shalt  }
0x81: {  	_ =	shalt  }
0x82: {  	_ =	shalt  }
0x83: {  	_ =	shalt  }
0x84: {  	_ =	shalt  }
0x85: {  	_ =	shalt  }
0x86: {  	_ =	shalt  }
0x87: {  	_ =	shalt  }
.Lfunc_end0:
.L_simem_size_0:
called_computation_lowered:
.L_overlay_start_0:
0x88: {  	s2 =	sld [smem:$0x3FD9]  }
0x89: {  	s3 =	sld [smem:$0x3FFE];
	_ =	sdelay $0x1  }
0x8a: {  	s1 =	srdreg.scid  }
0x8b: {  	s0 =	sand.u32 $0x1, s1  }
0x8c: {  	s17 =	sshll.u32 s0, $0xA;
	s2 =	sadd.s32 s3, s2  }
0x8d: {  	s2 =	sadd.s32 s2, s17  }
0x8e: {  	[smem:$0x3FBB] =	sst s2  }
0x8f: {  	_ = 	snop  }
0x90: {  	s2 =	sld [smem:$0x3FD0];
	(tm) =	ssettm $0x1  }
0x91: {  	s18 =	sld [smem:$0x3FFB];
	_ =	sdelay $0x3  }
0x92: {  	_ =	strace s18  }
0x93: {  	s3 =	sld [smem:$0x3FFC];
	_ =	sdelay $0x3  }
0x94: {  	_ =	strace s3  }
0x95: {  	s3 =	sld [smem:$0x3FFD];
	_ =	sdelay $0x3  }
0x96: {  	_ =	strace s3  }
0x97: {  	_ =	strace $0x8FFFFFFF  }
0x98: {  	s19 =	sld [smem:$0x3FDB];
	_ =	sdelay $0x1  }
0x99: {  	s4 =	simm.s32 $_scs_section_size  }
0x9a: {  	s5 =	simm.s32 $_size__tile_overlayer_lowered;
	s6 =	simm.s32 $_tile_overlayer_lowered  }
0x9b: {  	s22 =	simm.s32 $0x1BFF;
	s21 =	sshll.u32 s6, $0x1;
	s3 =	sadd.s32 s4, s19  }
0x9c: {  	s7 =	simm.s32 $0x0;
	s20 =	sshll.u32 s5, $0x1;
	s5 =	sadd.s32 s21, s3  }
0x9d: {  	[timem:s7], [sflag:s22] =	dma.local [hbm:s5], s20  }
0x9e: {  	_ =	swait.ge [sflag:s22], s20  }
0x9f: {  	s4 =	ssub.s32 $0x0, s20;
	[sflag:s22] =	ssyncset.done $0x0  }
0xa0: {  	[sflag:s22] =	ssyncadd.s32 s4;
	_ =	sdelay $0x1  }
0xa1: {  	s23 =	simm.s32 $0x1B8B  }
0xa2: {  	_ =	swait.ge [sflag:s23], $0x1  }
0xa3: {  	[sflag:s23] =	ssyncset.done $0x0  }
0xa4: {  	s25 =	simm.s32 $0x1B8E;
	s24 =	sld [smem:$0x3FFE];
	[sflag:s23] =	ssyncadd.s32 $0xFFFFFFFF  }
0xa5: {  	s26 =	simm.s32 $execute0_lowered;
	[smem:$0x3FD2] =	sst s25  }
0xa6: {  	s5 =	sshll.u32 s26, $0x1;
	_ =	strace $0x80000046;
	[dreg:$0x1] =	wrdreg $0xFFFFFFFF  }
0xa7: {  	s28 =	simm.s32 $_size_execute0_lowered;
	s3 =	sadd.s32 s3, s5;
	[dreg:$0x0] =	wrdreg $0x0  }
0xa8: {  	s5 =	sshll.u32 s28, $0x1;
	[dreg:$0x2] =	wrdreg s3  }
0xa9: {  	[dreg:$0x3] =	wrdreg s5  }
0xaa: {  	[dreg:$0x4] =	wrdreg $0xC0  }
0xab: {  	_ =	task [dreg:s7], $0x5FFFF  }
0xac: {  	[dreg:$0x1] =	wrdreg $0xFFFFFFFF  }
0xad: {  	[dreg:$0x0] =	wrdreg $0x60  }
0xae: {  	[dreg:$0x2] =	wrdreg s24  }
0xaf: {  	[dreg:$0x3] =	wrdreg s2  }
0xb0: {  	[dreg:$0x4] =	wrdreg $0x0  }
0xb1: {  	[dreg:$0x5] =	wrdreg $0x9  }
0xb2: {  	_ =	task.clear_ibuf [dreg:s7], $0x6FFFF;
	_ =	strace $0x90000046  }
0xb3: {  	s29 =	simm.s32 $0x9;
	_ =	strace $0x80000048  }
0xb4: {  	_ =	swait.ge [sflag:s29], $0x1  }
0xb5: {  	[sflag:s29] =	ssyncadd.s32 $0xFFFFFFFF  }
0xb6: {  	_ =	strace $0x90000048  }
0xb7: {  	_ =	sfence  }
0xb8: {  	s30 =	sld [smem:$0x0];
	_ =	sdelay $0x2  }
0xb9: {  	s31 =	sshll.u32 s1, $0xD;
	s1 =	sshrl.u32 s1, $0x2  }
0xba: {  	s3 =	sand.u32 $0x4000, s31;
	s1 =	sadd.s32 s1, s30  }
0xbb: {  	s0 =	sor.u32 s3, s0;
	s1 =	sshll.u32 s1, $0x11  }
0xbc: {  	s0 =	sor.u32 s1, s0  }
0xbd: {  	s0 =	sadd.s32 $0x8F2B, s0  }
0xbe: {  	[sflag:s0] =	ssyncadd.remote.s32 $0x1  }
0xbf: {  	_ =	sfence.sel $0xFFFF  }
0xc0: {  	[dreg:$0x0] =	wrdreg $0xFFFFFFFF;
	(pc) =	sbr.abs _section_cstart, $3  }
0xc1: {  	[dreg:$0x1] =	wrdreg $0xFFFFFFFF  }
0xc2: {  	_ =	task.clear_ibuf [dreg:s7], $0x2FFFF;
	_ =	strace $0x9FFFFFFF  }
0xc3: {  	(tm) =	ssettm $0x7FFFFFFF  }
tec
execute0_lowered:
.L_overlay_start_1:
0x0: {  	(tag) =	ssettag $0x1  }
0x1: {  	s6 =	rddreg [dreg:$0x0]  }
0x2: {  	s2 =	rddreg [dreg:$0x1]  }
0x3: {  	s0 =	srdreg.scid;
	s3 =	rddreg [dreg:$0x2]  }
0x4: {  	s4 =	simm.s32 $0x0;
	s5 =	sand.u32 $0x1, s0;
	s0 =	stileid.u32  }
0x5: {  	s14 =	simm.s32 $0x80;
	s15 =	simm.s32 $0x0;
	s8 =	smul.u32 $0x2780, s0  }
0x6: {  	[smem:$0x7FF] =	sst s4;
	s1 =	sshll.u32 s5, $0x4;
	s9 =	smul.u32 $0x4F0, s0  }
0x7: {  	s10 =	smul.u32 $0x4F00, s5;
	s5 =	ssub.s32 $0x2, s5;
	s12 =	sshll.u32 s0, $0x6  }
0x8: {  	s1 =	sor.u32 s0, s1;
	s31 =	sshrl.u32 s5, $0x1;
	s12 =	sor.u32 $0x1C01, s12  }
0x9: {  	s7 =	smul.u32 $0x4F0, s1;
	s1 =	rddreg [dreg:$0x3];
	_ =	strace $0x80000047  }
0xa: {  	s11 =	sshrl.u32 s8, $0x3;
	s9 =	sadd.s32 s9, s10;
	s10 =	ssub.s32 s5, s31  }
0xb: {  	s13 =	sadd.s32 s8, s3;
	s11 =	sadd.s32 s11, s6;
	s9 =	sadd.s32 s9, s6  }
0xc: {  	s8 =	smax.u32 s10, $0x1;
	s10 =	simm.s32 $0x1;
	s13 =	sshrl.u32 s13, $0x3  }
0xd: {  	s7 =	sadd.s32 s7, s6;
	s6 =	sadd.s32 $0xDE00, s11;
	s11 =	simm.s32 $0x4F00  }
0xe: {  	s5 =	sadd.s32 $0x4000, s7;
	s7 =	sadd.s32 $0x12E00, s9;
	s9 =	simm.s32 $0x2780  }
.LBB2_1:
0xf: {  	[tilespmem:s9], [sflag:$0x1] =	stream.linear.gather [hbm4b:s5+s4], $0x2780, $0x38;
	[tilespmem:$0x5700] =	vst v63  }
0x10: {  	_ =	swait.ge [sflag:s10], $0x2780  }
0x11: {  	[sflag:s10] =	ssyncset.done $0x0  }
0x12: {  	[sflag:s10] =	ssyncadd.s32 $0xFFFFD880  }
0x13: {  	[tilespmem:s11], [sflag:$0x1] =	stream.linear.gather [hbm4b:s2+s4], $0x800, $0x38;
	[tilespmem:$0x5700] =	vst v63  }
0x14: {  	_ =	swait.ge [sflag:s10], $0x800  }
0x15: {  	[sflag:s10] =	ssyncset.done $0x0  }
0x16: {  	[sflag:s10] =	ssyncadd.s32 $0xFFFFF800  }
0x17: {  	[spmem:s13], [sflag:s12] =	dma.local [hbm:s6], $0x4F0  }
0x18: {  	_ =	swait.ge [sflag:s10], $0x4F0  }
0x19: {  	[sflag:s10] =	ssyncset.done $0x0  }
0x1a: {  	[sflag:s10] =	ssyncadd.s32 $0xFFFFFB10  }
0x1b: {  	s16 =	simm.s32 $0x2780;
	[bflag:$0x0] =	sbarrier.arrive $0xFFFF  }
0x1c: {  	[spmem:s3] =	stream.indirect.scatter.add.f32 [tilespmem:s11], [sflag:$0x1], $0x10, s16, s14, $0xb8;
	[tilespmem:$0x5700] =	vst v63  }
0x1d: {  	s16 =	simm.s32 $0x200;
	_ =	swait.ge [sflag:s10], $0x800  }
.LBB2_2:
0x1e: {  	s17 =	sshra.s32 s16, $0x2;
	[sflag:s10] =	ssyncset.done $0x0;
	p0 =	sne.s32 s16, $0x9C00  }
.Ltmp0:
0x1f: {  	s17 =	sadd.s32 $0x2780, s17;
	[sflag:s10] =	ssyncadd.s32 $0xFFFFF800;
	(pc) =	sbr.rel @p0 .LBB2_2-.Ltmp0, $3  }
0x20: {  	[spmem:s3] =	stream.indirect.scatter.add.f32 [tilespmem:s11], [sflag:$0x1], $0x10, s17, s14, $0xb8;
	[tilespmem:$0x5700] =	vst v63  }
0x21: {  	s16 =	sadd.s32 $0x200, s16;
	_ =	sdelay $0x1  }
0x22: {  	_ =	swait.ge [sflag:s10], $0x800  }
0x23: {  	[sflag:s10] =	ssyncset.done $0x0;
	s15 =	sadd.s32 $0x1, s15  }
0x24: {  	[sflag:s10] =	ssyncadd.s32 $0xFFFFF800;
	p0 =	sne.s32 s15, s8  }
.Ltmp1:
0x25: {  	[bflag:$0x0] =	sbarrier.arrive $0xFFFF;
	(pc) =	sbr.rel @p0 .LBB2_1-.Ltmp1, $4  }
0x26: {  	[hbm:s7], [sflag:s12] =	dma.local [spmem:s13], $0x4F0  }
0x27: {  	_ =	swait.ge [sflag:s10], $0x4F0  }
0x28: {  	[sflag:s10] =	ssyncset.done $0x0  }
0x29: {  	[sflag:s10] =	ssyncadd.s32 $0xFFFFFB10  }
0x2a: {  	_ =	sfence.sel $0x180000  }
0x2b: {  	[bflag:$0x0] =	sbarrier.arrive $0xFFFF  }
0x2c: {  	p0 =	sne.s32 s0, $0x0;
	_ =	strace $0x90000047  }
0x2d: {  	s0 =	sadd.s32 @!p0 $0x100000, s1;
	[bflag:$0x2] =	sbarrier.arrive $0xFFFF  }
0x2e: {  	[sflag:s0] =	ssyncadd.tile.s32 @!p0 $0x1;
	_ =	shalt  }
.Lfunc_end2:
_tile_overlayer_lowered:
.L_overlay_start_2:
0x2f: {  	(tag) =	ssettag $0x2  }
0x30: {  	s0 =	rddreg [dreg:$0x0];
	s2 =	stileid.u32  }
0x31: {  	s1 =	rddreg [dreg:$0x1];
	p0 =	sne.s32 s2, $0x0  }
0x32: {  	s3 =	rddreg [dreg:$0x2];
	[bflag:$0x3] =	sbarrier.arrive $0xFFFF;
	s2 =	simm.s32 @!p0 $0x1C01  }
0x33: {  	[timem:s3], [sflag:s2] =	dma.local @!p0 [hbm:s0], s1  }
0x34: {  	s0 =	simm.s32 @!p0 $0x1  }
0x35: {  	_ =	swait.ge @!p0 [sflag:s0], s1  }
0x36: {  	s1 =	ssub.s32 @!p0 $0x0, s1;
	[sflag:s0] =	ssyncset.done @!p0 $0x0  }
0x37: {  	[sflag:s0] =	ssyncadd.s32 @!p0 s1  }
0x38: {  	[bflag:$0x3] =	sbarrier.arrive $0xFFFF  }
0x39: {  	_ =	shalt  }

// kernel: kernel.13.cloned.1.call-start
scs
__scs_entry_jumppad:
0x0: {  	(pc) =	sbr.rel $0x88, $3  }
0x1: {  	(tag) =	ssettag $0x0;
	lr =	simm.s32 $0x1  }
0x2: {  	[smem:$0x3F94] =	sst lr;
	_ =	strace $0xD0000000  }
0x3: {  	_ = 	snop  }
0x4: {  	_ = 	snop  }
0x5: {  	_ = 	snop  }
0x6: {  	_ = 	snop  }
0x7: {  	_ = 	snop  }
__scs_overlays_trampoline_lowered:
0x8: {  	[smem:$0x3FA3] =	sst s0  }
0x9: {  	[smem:$0x3FA4] =	sst s1  }
0xa: {  	[smem:$0x3FA5] =	sst s2  }
0xb: {  	[smem:$0x3FA6] =	sst s3  }
0xc: {  	[smem:$0x3FA7] =	sst s4  }
0xd: {  	[smem:$0x3FA8] =	sst s5  }
0xe: {  	[smem:$0x3FA9] =	sst s6  }
0xf: {  	[smem:$0x3FAA] =	sst s7  }
0x10: {  	[smem:$0x3FAB] =	sst s8  }
0x11: {  	[smem:$0x3FAC] =	sst s9;
	s0 =	simm.s32 @!p0 $0x0  }
0x12: {  	s1 =	sld [smem:$0x3F92];
	s0 =	simm.s32 @p0 $0x1  }
0x13: {  	[smem:$0x3FAD] =	sst s0;
	s0 =	simm.s32 @!p1 $0x0  }
0x14: {  	s2 =	sld [smem:$0x3F91];
	s0 =	simm.s32 @p1 $0x1  }
0x15: {  	[smem:$0x3FAE] =	sst s0;
	s0 =	simm.s32 @!p2 $0x0  }
0x16: {  	s3 =	sld [smem:$0x3FDB];
	s0 =	simm.s32 @p2 $0x1  }
0x17: {  	s4 =	simm.s32 $0x1BF5;
	[smem:$0x3FB0] =	sst s0  }
0x18: {  	s0 =	sld [smem:$0x3F93];
	_ =	swait.ge [sflag:s4], $0x0  }
0x19: {  	s7 =	sld [smem:$0x3F94]  }
0x1a: {  	s8 =	sadd.s32 $0xFFFFE003, lr  }
0x1b: {  	s9 =	sadd.s32 $0xFFFFFEF7, lr;
	s5 =	simm.s32 $0xFFFFFFFF;
	p2 =	slt.u32 s8, $0xFFFFF086  }
0x1c: {  	p1 =	slt.u32 s9, $0xF7A;
	s5 =	simm.s32 @!p2 $0x0  }
0x1d: {  	s5 =	simm.s32 @p1 $0x1;
	p0 =	seq.s32 s7, s2  }
0x1e: {  	s7 =	smul.u32 @!p0 $0xF7A, s2;
	p2 =	seq.s32 @!p0 s5, $0x0  }
0x1f: {  	s9 =	smul.u32 $0xF7A, s1;
	s8 =	simm.s32 @!p0 $0x1BF5;
	p2 =	por !p2, p0  }
0x20: {  	[sflag:s8] =	ssyncset.s32 @!p0 $0xFFFFF086;
	s6 =	sadd.s32 @!p0 s3, s7;
	s7 =	simm.s32 @!p0 $0x108  }
0x21: {  	s3 =	sadd.s32 s3, s9;
	s6 =	sadd.s32 @!p0 $0x88, s6;
	s7 =	simm.s32 @p2 $0x1082  }
0x22: {  	[simem:s7], [sflag:s8] =	dma.local @!p0 [hbm:s6], $0xF7A  }
0x23: {  	s9 =	sor.u32 $0xD0000000, s2;
	s6 =	simm.s32 $0x108;
	_ =	swait.ge @!p0 [sflag:s8], $0x0  }
0x24: {  	s3 =	sadd.s32 $0x88, s3;
	s6 =	simm.s32 @!p1 $0x1082;
	[sflag:s4] =	ssyncset.s32 $0xFFFFF086  }
0x25: {  	[simem:s6], [sflag:s4] =	dma.local [hbm:s3], $0xF7A  }
0x26: {  	[smem:$0x3F94] =	sst s1;
	(tag) =	ssettag s2;
	_ =	strace s9  }
0x27: {  	s1 =	sld [smem:$0x3FA4]  }
0x28: {  	s2 =	sld [smem:$0x3FA5]  }
0x29: {  	s4 =	sld [smem:$0x3FA7]  }
0x2a: {  	p0 =	seq.s32 s5, $0x0;
	s5 =	sld [smem:$0x3FA8]  }
0x2b: {  	s6 =	sld [smem:$0x3FA9]  }
0x2c: {  	s7 =	sld [smem:$0x3FAA]  }
0x2d: {  	s3 =	simm.s32 $0x108;
	s8 =	sld [smem:$0x3FAB]  }
0x2e: {  	s3 =	simm.s32 @!p0 $0x1082;
	s9 =	sld [smem:$0x3FAC]  }
0x2f: {  	lr =	sadd.s32 s0, s3;
	s0 =	sld [smem:$0x3FA3]  }
0x30: {  	s3 =	sld [smem:$0x3FA6]  }
0x31: {  	[smem:$0x3FAF] =	sst s10  }
0x32: {  	s10 =	sld [smem:$0x3FAD];
	_ =	sdelay $0x3  }
0x33: {  	p0 =	seq.s32 s10, $0x1;
	s10 =	sld [smem:$0x3FAF];
	_ =	sdelay $0x3  }
0x34: {  	[smem:$0x3FAF] =	sst s10  }
0x35: {  	s10 =	sld [smem:$0x3FAE];
	_ =	sdelay $0x3  }
0x36: {  	p1 =	seq.s32 s10, $0x1;
	s10 =	sld [smem:$0x3FAF];
	_ =	sdelay $0x3  }
0x37: {  	[smem:$0x3FAF] =	sst s10  }
0x38: {  	s10 =	sld [smem:$0x3FB0]  }
0x39: {  	_ = 	snop;
	(pc) =	sbr.ind lr, $3  }
0x3a: {  	_ = 	snop  }
0x3b: {  	_ = 	snop  }
0x3c: {  	p2 =	seq.s32 s10, $0x1;
	s10 =	sld [smem:$0x3FAF]  }
0x3d: {  	_ =	shalt  }
0x3e: {  	_ =	shalt  }
0x3f: {  	_ =	shalt  }
0x40: {  	_ =	shalt  }
0x41: {  	_ =	shalt  }
0x42: {  	_ =	shalt  }
0x43: {  	_ =	shalt  }
0x44: {  	_ =	shalt  }
0x45: {  	_ =	shalt  }
0x46: {  	_ =	shalt  }
0x47: {  	_ =	shalt  }
0x48: {  	_ =	shalt  }
0x49: {  	_ =	shalt  }
0x4a: {  	_ =	shalt  }
0x4b: {  	_ =	shalt  }
0x4c: {  	_ =	shalt  }
0x4d: {  	_ =	shalt  }
0x4e: {  	_ =	shalt  }
0x4f: {  	_ =	shalt  }
0x50: {  	_ =	shalt  }
0x51: {  	_ =	shalt  }
0x52: {  	_ =	shalt  }
0x53: {  	_ =	shalt  }
0x54: {  	_ =	shalt  }
0x55: {  	_ =	shalt  }
0x56: {  	_ =	shalt  }
0x57: {  	_ =	shalt  }
0x58: {  	_ =	shalt  }
0x59: {  	_ =	shalt  }
0x5a: {  	_ =	shalt  }
0x5b: {  	_ =	shalt  }
0x5c: {  	_ =	shalt  }
0x5d: {  	_ =	shalt  }
0x5e: {  	_ =	shalt  }
0x5f: {  	_ =	shalt  }
0x60: {  	_ =	shalt  }
0x61: {  	_ =	shalt  }
0x62: {  	_ =	shalt  }
0x63: {  	_ =	shalt  }
0x64: {  	_ =	shalt  }
0x65: {  	_ =	shalt  }
0x66: {  	_ =	shalt  }
0x67: {  	_ =	shalt  }
0x68: {  	_ =	shalt  }
0x69: {  	_ =	shalt  }
0x6a: {  	_ =	shalt  }
0x6b: {  	_ =	shalt  }
0x6c: {  	_ =	shalt  }
0x6d: {  	_ =	shalt  }
0x6e: {  	_ =	shalt  }
0x6f: {  	_ =	shalt  }
0x70: {  	_ =	shalt  }
0x71: {  	_ =	shalt  }
0x72: {  	_ =	shalt  }
0x73: {  	_ =	shalt  }
0x74: {  	_ =	shalt  }
0x75: {  	_ =	shalt  }
0x76: {  	_ =	shalt  }
0x77: {  	_ =	shalt  }
0x78: {  	_ =	shalt  }
0x79: {  	_ =	shalt  }
0x7a: {  	_ =	shalt  }
0x7b: {  	_ =	shalt  }
0x7c: {  	_ =	shalt  }
0x7d: {  	_ =	shalt  }
0x7e: {  	_ =	shalt  }
0x7f: {  	_ =	shalt  }
0x80: {  	_ =	shalt  }
0x81: {  	_ =	shalt  }
0x82: {  	_ =	shalt  }
0x83: {  	_ =	shalt  }
0x84: {  	_ =	shalt  }
0x85: {  	_ =	shalt  }
0x86: {  	_ =	shalt  }
0x87: {  	_ =	shalt  }
.Lfunc_end0:
.L_simem_size_0:
called_computation.1_lowered:
.L_overlay_start_0:
0x88: {  	s2 =	sld [smem:$0x3FD9]  }
0x89: {  	s3 =	sld [smem:$0x3FFE];
	_ =	sdelay $0x1  }
0x8a: {  	s1 =	srdreg.scid  }
0x8b: {  	s0 =	sand.u32 $0x1, s1  }
0x8c: {  	s16 =	sshll.u32 s0, $0xA;
	s2 =	sadd.s32 s3, s2  }
0x8d: {  	s2 =	sadd.s32 s2, s16  }
0x8e: {  	[smem:$0x3FBB] =	sst s2  }
0x8f: {  	_ = 	snop  }
0x90: {  	(tm) =	ssettm $0x1  }
0x91: {  	s17 =	sld [smem:$0x3FFB];
	_ =	sdelay $0x3  }
0x92: {  	_ =	strace s17  }
0x93: {  	s2 =	sld [smem:$0x3FFC];
	_ =	sdelay $0x3  }
0x94: {  	_ =	strace s2  }
0x95: {  	s2 =	sld [smem:$0x3FFD];
	_ =	sdelay $0x3  }
0x96: {  	_ =	strace s2  }
0x97: {  	_ =	strace $0x8FFFFFFF  }
0x98: {  	s18 =	sld [smem:$0x3FDB];
	_ =	sdelay $0x1  }
0x99: {  	s19 =	simm.s32 $_scs_section_size  }
0x9a: {  	s4 =	simm.s32 $_size__tile_overlayer_lowered;
	s5 =	simm.s32 $_tile_overlayer_lowered  }
0x9b: {  	s22 =	simm.s32 $0x1BFF;
	s21 =	sshll.u32 s5, $0x1;
	s2 =	sadd.s32 s19, s18  }
0x9c: {  	s6 =	simm.s32 $0x0;
	s20 =	sshll.u32 s4, $0x1;
	s4 =	sadd.s32 s21, s2  }
0x9d: {  	[timem:s6], [sflag:s22] =	dma.local [hbm:s4], s20  }
0x9e: {  	_ =	swait.ge [sflag:s22], s20  }
0x9f: {  	s3 =	ssub.s32 $0x0, s20;
	[sflag:s22] =	ssyncset.done $0x0  }
0xa0: {  	[sflag:s22] =	ssyncadd.s32 s3;
	_ =	sdelay $0x1  }
0xa1: {  	s23 =	simm.s32 $0x1B8B  }
0xa2: {  	_ =	swait.ge [sflag:s23], $0x1  }
0xa3: {  	[sflag:s23] =	ssyncset.done $0x0  }
0xa4: {  	s25 =	simm.s32 $0x1B8E;
	s24 =	sld [smem:$0x3FFE];
	[sflag:s23] =	ssyncadd.s32 $0xFFFFFFFF  }
0xa5: {  	s26 =	simm.s32 $execute0_lowered;
	[smem:$0x3FD2] =	sst s25  }
0xa6: {  	s4 =	sshll.u32 s26, $0x1;
	_ =	strace $0x80000049;
	[dreg:$0x1] =	wrdreg $0xFFFFFFFF  }
0xa7: {  	s28 =	simm.s32 $_size_execute0_lowered;
	s2 =	sadd.s32 s2, s4;
	[dreg:$0x0] =	wrdreg $0x0  }
0xa8: {  	s4 =	sshll.u32 s28, $0x1;
	[dreg:$0x2] =	wrdreg s2  }
0xa9: {  	[dreg:$0x3] =	wrdreg s4  }
0xaa: {  	[dreg:$0x4] =	wrdreg $0xC0  }
0xab: {  	_ =	task [dreg:s6], $0x5FFFF  }
0xac: {  	[dreg:$0x1] =	wrdreg $0xFFFFFFFF  }
0xad: {  	[dreg:$0x0] =	wrdreg $0x60  }
0xae: {  	[dreg:$0x2] =	wrdreg s24  }
0xaf: {  	[dreg:$0x3] =	wrdreg $0x0  }
0xb0: {  	[dreg:$0x4] =	wrdreg $0x9  }
0xb1: {  	_ =	task.clear_ibuf [dreg:s6], $0x5FFFF;
	_ =	strace $0x90000049  }
0xb2: {  	s29 =	simm.s32 $0x9;
	_ =	strace $0x8000004B  }
0xb3: {  	_ =	swait.ge [sflag:s29], $0x1  }
0xb4: {  	[sflag:s29] =	ssyncadd.s32 $0xFFFFFFFF  }
0xb5: {  	_ =	strace $0x9000004B  }
0xb6: {  	_ =	sfence  }
0xb7: {  	s30 =	sld [smem:$0x0];
	_ =	sdelay $0x2  }
0xb8: {  	s31 =	sshll.u32 s1, $0xD;
	s1 =	sshrl.u32 s1, $0x2  }
0xb9: {  	s3 =	sand.u32 $0x4000, s31;
	s1 =	sadd.s32 s1, s30  }
0xba: {  	s0 =	sor.u32 s3, s0;
	s1 =	sshll.u32 s1, $0x11  }
0xbb: {  	s0 =	sor.u32 s1, s0  }
0xbc: {  	s0 =	sadd.s32 $0x8F2B, s0  }
0xbd: {  	[sflag:s0] =	ssyncadd.remote.s32 $0x1  }
0xbe: {  	_ =	sfence.sel $0xFFFF  }
0xbf: {  	[dreg:$0x0] =	wrdreg $0xFFFFFFFF;
	(pc) =	sbr.abs _section_cstart, $3  }
0xc0: {  	[dreg:$0x1] =	wrdreg $0xFFFFFFFF  }
0xc1: {  	_ =	task.clear_ibuf [dreg:s6], $0x2FFFF;
	_ =	strace $0x9FFFFFFF  }
0xc2: {  	(tm) =	ssettm $0x7FFFFFFF  }
0xc3: {  	_ =	shalt  }
tec
execute0_lowered:
.L_overlay_start_1:
0x0: {  	(tag) =	ssettag $0x1  }
0x1: {  	s0 =	srdreg.scid;
	s5 =	rddreg [dreg:$0x0]  }
0x2: {  	s2 =	rddreg [dreg:$0x1];
	s3 =	simm.s32 $0x0;
	s15 =	simm.s32 $0x40  }
0x3: {  	s16 =	simm.s32 $0x18B00;
	s7 =	sand.u32 $0x1, s0;
	s0 =	stileid.u32  }
0x4: {  	s17 =	simm.s32 $0x1;
	s19 =	simm.s32 $0x0;
	s8 =	smul.u32 $0x2780, s0  }
0x5: {  	[smem:$0x7FF] =	sst s3;
	s4 =	sadd.s32 $0x4DC00, s5;
	s9 =	smul.u32 $0x27800, s7  }
0x6: {  	s10 =	sadd.s32 $0x75400, s5;
	s1 =	sshll.u32 s7, $0x4;
	s11 =	smul.u32 $0x13C00, s0  }
0x7: {  	s29 =	ssub.s32 $0x2, s7;
	s12 =	smul.u32 $0x4F000, s0;
	p0 =	seq.s32 s7, $0x1  }
0x8: {  	s13 =	sshll.u32 s0, $0x6;
	s1 =	sor.u32 s0, s1;
	s30 =	sshrl.u32 s29, $0x1  }
0x9: {  	s13 =	sor.u32 $0x1C02, s13;
	s6 =	smul.u32 $0x4F0, s1;
	s1 =	rddreg [dreg:$0x2]  }
0xa: {  	_ =	strace $0x8000004A;
	s8 =	sadd.s32 s8, s9;
	s9 =	ssub.s32 s29, s30  }
0xb: {  	s14 =	sadd.s32 s11, s2;
	s11 =	sshrl.u32 s11, $0x3;
	s31 =	sshrl.u32 s12, $0x2  }
0xc: {  	s12 =	smov.u32 s4;
	s8 =	sadd.s32 s8, s5;
	s18 =	sadd.s32 s31, s2  }
0xd: {  	s12 =	smov.u32 @p0 s10;
	s10 =	simm.s32 $0x13C00;
	s14 =	sshrl.u32 s14, $0x3  }
0xe: {  	s6 =	sadd.s32 s6, s5;
	s7 =	sadd.s32 $0x9CC00, s8;
	s8 =	smax.u32 s9, $0x1  }
0xf: {  	s9 =	sadd.s32 s12, s11;
	s11 =	simm.s32 $0x2;
	s12 =	simm.s32 $0x16380  }
0x10: {  	s18 =	sshrl.u32 s18, $0x3;
	s5 =	sadd.s32 $0x1CC00, s6;
	s6 =	sadd.s32 $0x4000, s6  }
.LBB2_1:
0x11: {  	[tilespmem:s10], [sflag:$0x2] =	stream.linear.gather [hbm4b:s5+s3], $0x2780, $0x38;
	[tilespmem:$0x1AB00] =	vst v63  }
0x12: {  	_ =	swait.ge [sflag:s11], $0x2780  }
0x13: {  	[sflag:s11] =	ssyncset.done $0x0  }
0x14: {  	[sflag:s11] =	ssyncadd.s32 $0xFFFFD880  }
0x15: {  	[tilespmem:s12], [sflag:$0x2] =	stream.linear.gather [hbm4b:s6+s3], $0x2780, $0x38;
	[tilespmem:$0x1AB00] =	vst v63  }
0x16: {  	_ =	swait.ge [sflag:s11], $0x2780  }
0x17: {  	[sflag:s11] =	ssyncset.done $0x0  }
0x18: {  	[sflag:s11] =	ssyncadd.s32 $0xFFFFD880  }
0x19: {  	[spmem:s14], [sflag:s13] =	dma.local [hbm:s9], $0x2780  }
0x1a: {  	_ =	swait.ge [sflag:s11], $0x2780  }
0x1b: {  	[sflag:s11] =	ssyncset.done $0x0  }
0x1c: {  	[sflag:s11] =	ssyncadd.s32 $0xFFFFD880  }
0x1d: {  	s20 =	simm.s32 $0x13C00;
	[bflag:$0x0] =	sbarrier.arrive $0xFFFF  }
0x1e: {  	[tilespmem:s16], [sflag:$0x1] =	stream.indirect.gather [hbm4b:s4+s15], $0x80, s20, s15, $0xb8;
	[tilespmem:$0x1AB00] =	vst v63  }
0x1f: {  	_ =	swait.ge [sflag:s17], $0x2000  }
0x20: {  	[sflag:s17] =	ssyncset.done $0x0  }
0x21: {  	s31 =	simm.s32 $0x16380;
	[sflag:s17] =	ssyncadd.s32 $0xFFFFE000  }
0x22: {  	[spmem:s2] =	stream.indirect.scatter.add.f32 [tilespmem:s16], [sflag:$0x2], $0x80, s31, s15, $0xb8;
	[tilespmem:$0x1AB00] =	vst v63  }
0x23: {  	_ =	swait.ge [sflag:s11], $0x2000  }
0x24: {  	s21 =	simm.s32 $0x200;
	s20 =	simm.s32 $0x40;
	[sflag:s11] =	ssyncset.done $0x0  }
.LBB2_2:
0x25: {  	s22 =	sadd.s32 $0x13C00, s20  }
0x26: {  	[sflag:s11] =	ssyncadd.s32 $0xFFFFE000;
	s23 =	smov.u32 s21;
	s24 =	sadd.s32 $0x100, s21  }
0x27: {  	[tilespmem:s16], [sflag:$0x1] =	stream.indirect.gather [hbm4b:s4+s15], $0x80, s22, s15, $0xb8;
	[tilespmem:$0x1AB00] =	vst v63  }
0x28: {  	p0 =	sne.s32 s21, $0x9D00;
	_ =	swait.ge [sflag:s17], $0x2000  }
.Ltmp0:
0x29: {  	[sflag:s17] =	ssyncset.done $0x0;
	(pc) =	sbr.rel @p0 .LBB2_2-.Ltmp0, $4  }
0x2a: {  	s20 =	sadd.s32 $0x16380, s20;
	[sflag:s17] =	ssyncadd.s32 $0xFFFFE000  }
0x2b: {  	[spmem:s2] =	stream.indirect.scatter.add.f32 [tilespmem:s16], [sflag:$0x2], $0x80, s20, s15, $0xb8;
	[tilespmem:$0x1AB00] =	vst v63  }
0x2c: {  	_ =	swait.ge [sflag:s11], $0x2000  }
0x2d: {  	s21 =	smov.u32 s24;
	s20 =	sshra.s32 s23, $0x2;
	[sflag:s11] =	ssyncset.done $0x0  }
0x2e: {  	s21 =	sadd.s32 $0x13C00, s20;
	[sflag:s11] =	ssyncadd.s32 $0xFFFFE000  }
0x2f: {  	[tilespmem:s16], [sflag:$0x1] =	stream.indirect.gather [hbm4b:s4+s15], $0x80, s21, s15, $0xb8;
	[tilespmem:$0x1AB00] =	vst v63  }
0x30: {  	_ =	swait.ge [sflag:s17], $0x2000  }
0x31: {  	[sflag:s17] =	ssyncset.done $0x0  }
0x32: {  	s31 =	sadd.s32 $0x16380, s20;
	[sflag:s17] =	ssyncadd.s32 $0xFFFFE000  }
0x33: {  	[spmem:s2] =	stream.indirect.scatter.add.f32 [tilespmem:s16], [sflag:$0x2], $0x80, s31, s15, $0xb8;
	[tilespmem:$0x1AB00] =	vst v63  }
0x34: {  	_ =	swait.ge [sflag:s11], $0x2000  }
0x35: {  	s19 =	sadd.s32 $0x1, s19;
	[sflag:s11] =	ssyncset.done $0x0  }
0x36: {  	p0 =	sne.s32 s19, s8;
	[sflag:s11] =	ssyncadd.s32 $0xFFFFE000  }
.Ltmp1:
0x37: {  	[bflag:$0x0] =	sbarrier.arrive $0xFFFF;
	(pc) =	sbr.rel @p0 .LBB2_1-.Ltmp1, $4  }
0x38: {  	[hbm:s7], [sflag:s13] =	dma.local [spmem:s18], $0x2780  }
0x39: {  	_ =	swait.ge [sflag:s11], $0x2780  }
0x3a: {  	[sflag:s11] =	ssyncset.done $0x0  }
0x3b: {  	[sflag:s11] =	ssyncadd.s32 $0xFFFFD880  }
0x3c: {  	_ =	sfence.sel $0x180000  }
0x3d: {  	[bflag:$0x0] =	sbarrier.arrive $0xFFFF  }
0x3e: {  	p0 =	sne.s32 s0, $0x0;
	_ =	strace $0x9000004A  }
0x3f: {  	s0 =	sadd.s32 @!p0 $0x100000, s1;
	[bflag:$0x2] =	sbarrier.arrive $0xFFFF  }
0x40: {  	[sflag:s0] =	ssyncadd.tile.s32 @!p0 $0x1;
	_ =	shalt  }
.Lfunc_end2:
_tile_overlayer_lowered:
.L_overlay_start_2:
0x41: {  	(tag) =	ssettag $0x2  }
0x42: {  	s0 =	rddreg [dreg:$0x0];
	s2 =	stileid.u32  }
0x43: {  	s1 =	rddreg [dreg:$0x1];
	p0 =	sne.s32 s2, $0x0  }
0x44: {  	s3 =	rddreg [dreg:$0x2];
	[bflag:$0x3] =	sbarrier.arrive $0xFFFF;
	s2 =	simm.s32 @!p0 $0x1C02  }
0x45: {  	[timem:s3], [sflag:s2] =	dma.local @!p0 [hbm:s0], s1  }
0x46: {  	s0 =	simm.s32 @!p0 $0x2  }
0x47: {  	_ =	swait.ge @!p0 [sflag:s0], s1  }
0x48: {  	s1 =	ssub.s32 @!p0 $0x0, s1;
	[sflag:s0] =	ssyncset.done @!p0 $0x0  }
0x49: {  	[sflag:s0] =	ssyncadd.s32 @!p0 s1  }
0x4a: {  	[bflag:$0x3] =	sbarrier.arrive $0xFFFF  }
0x4b: {  	_ =	shalt  }

// kernel: kernel.16.cloned.1.call-start
scs
__scs_entry_jumppad:
0x0: {  	(pc) =	sbr.rel $0x88, $3  }
0x1: {  	(tag) =	ssettag $0x0;
	lr =	simm.s32 $0x1  }
0x2: {  	[smem:$0x3F94] =	sst lr;
	_ =	strace $0xD0000000  }
0x3: {  	_ = 	snop  }
0x4: {  	_ = 	snop  }
0x5: {  	_ = 	snop  }
0x6: {  	_ = 	snop  }
0x7: {  	_ = 	snop  }
__scs_overlays_trampoline_lowered:
0x8: {  	[smem:$0x3FA3] =	sst s0  }
0x9: {  	[smem:$0x3FA4] =	sst s1  }
0xa: {  	[smem:$0x3FA5] =	sst s2  }
0xb: {  	[smem:$0x3FA6] =	sst s3  }
0xc: {  	[smem:$0x3FA7] =	sst s4  }
0xd: {  	[smem:$0x3FA8] =	sst s5  }
0xe: {  	[smem:$0x3FA9] =	sst s6  }
0xf: {  	[smem:$0x3FAA] =	sst s7  }
0x10: {  	[smem:$0x3FAB] =	sst s8  }
0x11: {  	[smem:$0x3FAC] =	sst s9;
	s0 =	simm.s32 @!p0 $0x0  }
0x12: {  	s1 =	sld [smem:$0x3F92];
	s0 =	simm.s32 @p0 $0x1  }
0x13: {  	[smem:$0x3FAD] =	sst s0;
	s0 =	simm.s32 @!p1 $0x0  }
0x14: {  	s2 =	sld [smem:$0x3F91];
	s0 =	simm.s32 @p1 $0x1  }
0x15: {  	[smem:$0x3FAE] =	sst s0;
	s0 =	simm.s32 @!p2 $0x0  }
0x16: {  	s3 =	sld [smem:$0x3FDB];
	s0 =	simm.s32 @p2 $0x1  }
0x17: {  	s4 =	simm.s32 $0x1BF5;
	[smem:$0x3FB0] =	sst s0  }
0x18: {  	s0 =	sld [smem:$0x3F93];
	_ =	swait.ge [sflag:s4], $0x0  }
0x19: {  	s7 =	sld [smem:$0x3F94]  }
0x1a: {  	s8 =	sadd.s32 $0xFFFFE003, lr  }
0x1b: {  	s9 =	sadd.s32 $0xFFFFFEF7, lr;
	s5 =	simm.s32 $0xFFFFFFFF;
	p2 =	slt.u32 s8, $0xFFFFF086  }
0x1c: {  	p1 =	slt.u32 s9, $0xF7A;
	s5 =	simm.s32 @!p2 $0x0  }
0x1d: {  	s5 =	simm.s32 @p1 $0x1;
	p0 =	seq.s32 s7, s2  }
0x1e: {  	s7 =	smul.u32 @!p0 $0xF7A, s2;
	p2 =	seq.s32 @!p0 s5, $0x0  }
0x1f: {  	s9 =	smul.u32 $0xF7A, s1;
	s8 =	simm.s32 @!p0 $0x1BF5;
	p2 =	por !p2, p0  }
0x20: {  	[sflag:s8] =	ssyncset.s32 @!p0 $0xFFFFF086;
	s6 =	sadd.s32 @!p0 s3, s7;
	s7 =	simm.s32 @!p0 $0x108  }
0x21: {  	s3 =	sadd.s32 s3, s9;
	s6 =	sadd.s32 @!p0 $0x88, s6;
	s7 =	simm.s32 @p2 $0x1082  }
0x22: {  	[simem:s7], [sflag:s8] =	dma.local @!p0 [hbm:s6], $0xF7A  }
0x23: {  	s9 =	sor.u32 $0xD0000000, s2;
	s6 =	simm.s32 $0x108;
	_ =	swait.ge @!p0 [sflag:s8], $0x0  }
0x24: {  	s3 =	sadd.s32 $0x88, s3;
	s6 =	simm.s32 @!p1 $0x1082;
	[sflag:s4] =	ssyncset.s32 $0xFFFFF086  }
0x25: {  	[simem:s6], [sflag:s4] =	dma.local [hbm:s3], $0xF7A  }
0x26: {  	[smem:$0x3F94] =	sst s1;
	(tag) =	ssettag s2;
	_ =	strace s9  }
0x27: {  	s1 =	sld [smem:$0x3FA4]  }
0x28: {  	s2 =	sld [smem:$0x3FA5]  }
0x29: {  	s4 =	sld [smem:$0x3FA7]  }
0x2a: {  	p0 =	seq.s32 s5, $0x0;
	s5 =	sld [smem:$0x3FA8]  }
0x2b: {  	s6 =	sld [smem:$0x3FA9]  }
0x2c: {  	s7 =	sld [smem:$0x3FAA]  }
0x2d: {  	s3 =	simm.s32 $0x108;
	s8 =	sld [smem:$0x3FAB]  }
0x2e: {  	s3 =	simm.s32 @!p0 $0x1082;
	s9 =	sld [smem:$0x3FAC]  }
0x2f: {  	lr =	sadd.s32 s0, s3;
	s0 =	sld [smem:$0x3FA3]  }
0x30: {  	s3 =	sld [smem:$0x3FA6]  }
0x31: {  	[smem:$0x3FAF] =	sst s10  }
0x32: {  	s10 =	sld [smem:$0x3FAD];
	_ =	sdelay $0x3  }
0x33: {  	p0 =	seq.s32 s10, $0x1;
	s10 =	sld [smem:$0x3FAF];
	_ =	sdelay $0x3  }
0x34: {  	[smem:$0x3FAF] =	sst s10  }
0x35: {  	s10 =	sld [smem:$0x3FAE];
	_ =	sdelay $0x3  }
0x36: {  	p1 =	seq.s32 s10, $0x1;
	s10 =	sld [smem:$0x3FAF];
	_ =	sdelay $0x3  }
0x37: {  	[smem:$0x3FAF] =	sst s10  }
0x38: {  	s10 =	sld [smem:$0x3FB0]  }
0x39: {  	_ = 	snop;
	(pc) =	sbr.ind lr, $3  }
0x3a: {  	_ = 	snop  }
0x3b: {  	_ = 	snop  }
0x3c: {  	p2 =	seq.s32 s10, $0x1;
	s10 =	sld [smem:$0x3FAF]  }
0x3d: {  	_ =	shalt  }
0x3e: {  	_ =	shalt  }
0x3f: {  	_ =	shalt  }
0x40: {  	_ =	shalt  }
0x41: {  	_ =	shalt  }
0x42: {  	_ =	shalt  }
0x43: {  	_ =	shalt  }
0x44: {  	_ =	shalt  }
0x45: {  	_ =	shalt  }
0x46: {  	_ =	shalt  }
0x47: {  	_ =	shalt  }
0x48: {  	_ =	shalt  }
0x49: {  	_ =	shalt  }
0x4a: {  	_ =	shalt  }
0x4b: {  	_ =	shalt  }
0x4c: {  	_ =	shalt  }
0x4d: {  	_ =	shalt  }
0x4e: {  	_ =	shalt  }
0x4f: {  	_ =	shalt  }
0x50: {  	_ =	shalt  }
0x51: {  	_ =	shalt  }
0x52: {  	_ =	shalt  }
0x53: {  	_ =	shalt  }
0x54: {  	_ =	shalt  }
0x55: {  	_ =	shalt  }
0x56: {  	_ =	shalt  }
0x57: {  	_ =	shalt  }
0x58: {  	_ =	shalt  }
0x59: {  	_ =	shalt  }
0x5a: {  	_ =	shalt  }
0x5b: {  	_ =	shalt  }
0x5c: {  	_ =	shalt  }
0x5d: {  	_ =	shalt  }
0x5e: {  	_ =	shalt  }
0x5f: {  	_ =	shalt  }
0x60: {  	_ =	shalt  }
0x61: {  	_ =	shalt  }
0x62: {  	_ =	shalt  }
0x63: {  	_ =	shalt  }
0x64: {  	_ =	shalt  }
0x65: {  	_ =	shalt  }
0x66: {  	_ =	shalt  }
0x67: {  	_ =	shalt  }
0x68: {  	_ =	shalt  }
0x69: {  	_ =	shalt  }
0x6a: {  	_ =	shalt  }
0x6b: {  	_ =	shalt  }
0x6c: {  	_ =	shalt  }
0x6d: {  	_ =	shalt  }
0x6e: {  	_ =	shalt  }
0x6f: {  	_ =	shalt  }
0x70: {  	_ =	shalt  }
0x71: {  	_ =	shalt  }
0x72: {  	_ =	shalt  }
0x73: {  	_ =	shalt  }
0x74: {  	_ =	shalt  }
0x75: {  	_ =	shalt  }
0x76: {  	_ =	shalt  }
0x77: {  	_ =	shalt  }
0x78: {  	_ =	shalt  }
0x79: {  	_ =	shalt  }
0x7a: {  	_ =	shalt  }
0x7b: {  	_ =	shalt  }
0x7c: {  	_ =	shalt  }
0x7d: {  	_ =	shalt  }
0x7e: {  	_ =	shalt  }
0x7f: {  	_ =	shalt  }
0x80: {  	_ =	shalt  }
0x81: {  	_ =	shalt  }
0x82: {  	_ =	shalt  }
0x83: {  	_ =	shalt  }
0x84: {  	_ =	shalt  }
0x85: {  	_ =	shalt  }
0x86: {  	_ =	shalt  }
0x87: {  	_ =	shalt  }
.Lfunc_end0:
.L_simem_size_0:
called_computation.2_lowered:
.L_overlay_start_0:
0x88: {  	s2 =	sld [smem:$0x3FD9]  }
0x89: {  	s3 =	sld [smem:$0x3FFE];
	_ =	sdelay $0x1  }
0x8a: {  	s1 =	srdreg.scid  }
0x8b: {  	s0 =	sand.u32 $0x1, s1  }
0x8c: {  	s16 =	sshll.u32 s0, $0xA;
	s2 =	sadd.s32 s3, s2  }
0x8d: {  	s2 =	sadd.s32 s2, s16  }
0x8e: {  	[smem:$0x3FBB] =	sst s2  }
0x8f: {  	_ = 	snop  }
0x90: {  	(tm) =	ssettm $0x1  }
0x91: {  	s17 =	sld [smem:$0x3FFB];
	_ =	sdelay $0x3  }
0x92: {  	_ =	strace s17  }
0x93: {  	s2 =	sld [smem:$0x3FFC];
	_ =	sdelay $0x3  }
0x94: {  	_ =	strace s2  }
0x95: {  	s2 =	sld [smem:$0x3FFD];
	_ =	sdelay $0x3  }
0x96: {  	_ =	strace s2  }
0x97: {  	_ =	strace $0x8FFFFFFF  }
0x98: {  	s18 =	sld [smem:$0x3FDB];
	_ =	sdelay $0x1  }
0x99: {  	s19 =	simm.s32 $_scs_section_size  }
0x9a: {  	s4 =	simm.s32 $_size__tile_overlayer_lowered;
	s5 =	simm.s32 $_tile_overlayer_lowered  }
0x9b: {  	s22 =	simm.s32 $0x1BFF;
	s21 =	sshll.u32 s5, $0x1;
	s2 =	sadd.s32 s19, s18  }
0x9c: {  	s6 =	simm.s32 $0x0;
	s20 =	sshll.u32 s4, $0x1;
	s4 =	sadd.s32 s21, s2  }
0x9d: {  	[timem:s6], [sflag:s22] =	dma.local [hbm:s4], s20  }
0x9e: {  	_ =	swait.ge [sflag:s22], s20  }
0x9f: {  	s3 =	ssub.s32 $0x0, s20;
	[sflag:s22] =	ssyncset.done $0x0  }
0xa0: {  	[sflag:s22] =	ssyncadd.s32 s3;
	_ =	sdelay $0x1  }
0xa1: {  	s23 =	simm.s32 $0x1B8B  }
0xa2: {  	_ =	swait.ge [sflag:s23], $0x1  }
0xa3: {  	[sflag:s23] =	ssyncset.done $0x0  }
0xa4: {  	s25 =	simm.s32 $0x1B8E;
	s24 =	sld [smem:$0x3FFE];
	[sflag:s23] =	ssyncadd.s32 $0xFFFFFFFF  }
0xa5: {  	s26 =	simm.s32 $execute0_lowered;
	[smem:$0x3FD2] =	sst s25  }
0xa6: {  	s4 =	sshll.u32 s26, $0x1;
	_ =	strace $0x8000004C;
	[dreg:$0x1] =	wrdreg $0xFFFFFFFF  }
0xa7: {  	s28 =	simm.s32 $_size_execute0_lowered;
	s2 =	sadd.s32 s2, s4;
	[dreg:$0x0] =	wrdreg $0x0  }
0xa8: {  	s4 =	sshll.u32 s28, $0x1;
	[dreg:$0x2] =	wrdreg s2  }
0xa9: {  	[dreg:$0x3] =	wrdreg s4  }
0xaa: {  	[dreg:$0x4] =	wrdreg $0xC0  }
0xab: {  	_ =	task [dreg:s6], $0x5FFFF  }
0xac: {  	[dreg:$0x1] =	wrdreg $0xFFFFFFFF  }
0xad: {  	[dreg:$0x0] =	wrdreg $0x60  }
0xae: {  	[dreg:$0x2] =	wrdreg s24  }
0xaf: {  	[dreg:$0x3] =	wrdreg $0x0  }
0xb0: {  	[dreg:$0x4] =	wrdreg $0x9  }
0xb1: {  	_ =	task.clear_ibuf [dreg:s6], $0x5FFFF;
	_ =	strace $0x9000004C  }
0xb2: {  	s29 =	simm.s32 $0x9;
	_ =	strace $0x8000004E  }
0xb3: {  	_ =	swait.ge [sflag:s29], $0x1  }
0xb4: {  	[sflag:s29] =	ssyncadd.s32 $0xFFFFFFFF  }
0xb5: {  	_ =	strace $0x9000004E  }
0xb6: {  	_ =	sfence  }
0xb7: {  	s30 =	sld [smem:$0x0];
	_ =	sdelay $0x2  }
0xb8: {  	s31 =	sshll.u32 s1, $0xD;
	s1 =	sshrl.u32 s1, $0x2  }
0xb9: {  	s3 =	sand.u32 $0x4000, s31;
	s1 =	sadd.s32 s1, s30  }
0xba: {  	s0 =	sor.u32 s3, s0;
	s1 =	sshll.u32 s1, $0x11  }
0xbb: {  	s0 =	sor.u32 s1, s0  }
0xbc: {  	s0 =	sadd.s32 $0x8F2B, s0  }
0xbd: {  	[sflag:s0] =	ssyncadd.remote.s32 $0x1  }
0xbe: {  	_ =	sfence.sel $0xFFFF  }
0xbf: {  	[dreg:$0x0] =	wrdreg $0xFFFFFFFF;
	(pc) =	sbr.abs _section_cstart, $3  }
0xc0: {  	[dreg:$0x1] =	wrdreg $0xFFFFFFFF  }
0xc1: {  	_ =	task.clear_ibuf [dreg:s6], $0x2FFFF;
	_ =	strace $0x9FFFFFFF  }
0xc2: {  	(tm) =	ssettm $0x7FFFFFFF  }
0xc3: {  	_ =	shalt  }
tec
execute0_lowered:
.L_overlay_start_1:
0x0: {  	(tag) =	ssettag $0x1  }
0x1: {  	s6 =	rddreg [dreg:$0x0]  }
0x2: {  	s0 =	srdreg.scid;
	s2 =	rddreg [dreg:$0x1]  }
0x3: {  	s3 =	simm.s32 $0x0;
	s5 =	sand.u32 $0x1, s0;
	s0 =	stileid.u32  }
0x4: {  	s15 =	simm.s32 $0x40;
	s16 =	simm.s32 $0x1DA00;
	s8 =	smul.u32 $0x278, s0  }
0x5: {  	s17 =	simm.s32 $0x1;
	s18 =	simm.s32 $0x0;
	s9 =	smul.u32 $0x2780, s5  }
0x6: {  	[smem:$0x7FF] =	sst s3;
	s4 =	sadd.s32 $0x4DC00, s6;
	s10 =	smul.u32 $0x9E0, s0  }
0x7: {  	s1 =	sshll.u32 s5, $0x4;
	s5 =	ssub.s32 $0x2, s5;
	s29 =	smul.u32 $0x4F000, s0  }
0x8: {  	s13 =	sshll.u32 s0, $0x6;
	s1 =	sor.u32 s0, s1;
	s30 =	sshrl.u32 s5, $0x1  }
0x9: {  	s13 =	sor.u32 $0x1C02, s13;
	s7 =	smul.u32 $0x9E0, s1;
	s1 =	rddreg [dreg:$0x2]  }
0xa: {  	_ =	strace $0x8000004D;
	s8 =	sadd.s32 s8, s9;
	s10 =	sadd.s32 s10, s6  }
0xb: {  	s12 =	ssub.s32 s5, s30;
	s31 =	sshrl.u32 s29, $0x2;
	s8 =	sshll.u32 s8, $0x4  }
0xc: {  	s14 =	sadd.s32 s31, s2;
	s9 =	smax.u32 s12, $0x1;
	s12 =	simm.s32 $0x18B00  }
0xd: {  	s7 =	sadd.s32 s7, s6;
	s11 =	sadd.s32 s8, s6;
	s6 =	sadd.s32 $0x4000, s10  }
0xe: {  	s10 =	simm.s32 $0x13C00;
	s14 =	sshrl.u32 s14, $0x3;
	s5 =	sadd.s32 $0xEBC00, s7  }
0xf: {  	s7 =	sadd.s32 s4, s8;
	s8 =	sadd.s32 $0x9CC00, s11;
	s11 =	simm.s32 $0x2  }
.LBB2_1:
0x10: {  	[tilespmem:s10], [sflag:$0x2] =	stream.linear.gather [hbm4b:s5+s3], $0x4F00, $0x38;
	[tilespmem:$0x1FA00] =	vst v63  }
0x11: {  	_ =	swait.ge [sflag:s11], $0x4F00  }
0x12: {  	[sflag:s11] =	ssyncset.done $0x0  }
0x13: {  	[sflag:s11] =	ssyncadd.s32 $0xFFFFB100  }
0x14: {  	[tilespmem:s12], [sflag:$0x2] =	stream.linear.gather [hbm4b:s6+s3], $0x4F00, $0x38;
	[tilespmem:$0x1FA00] =	vst v63  }
0x15: {  	_ =	swait.ge [sflag:s11], $0x4F00  }
0x16: {  	[sflag:s11] =	ssyncset.done $0x0  }
0x17: {  	[sflag:s11] =	ssyncadd.s32 $0xFFFFB100  }
0x18: {  	[spmem:s14], [sflag:s13] =	dma.local [hbm:s7], $0x2780  }
0x19: {  	_ =	swait.ge [sflag:s11], $0x2780  }
0x1a: {  	[sflag:s11] =	ssyncset.done $0x0  }
0x1b: {  	[sflag:s11] =	ssyncadd.s32 $0xFFFFD880  }
0x1c: {  	s19 =	simm.s32 $0x13C00;
	[bflag:$0x0] =	sbarrier.arrive $0xFFFF  }
0x1d: {  	[tilespmem:s16], [sflag:$0x1] =	stream.indirect.gather [hbm4b:s4+s15], $0x80, s19, s15, $0xb8;
	[tilespmem:$0x1FA00] =	vst v63  }
0x1e: {  	_ =	swait.ge [sflag:s17], $0x2000  }
0x1f: {  	[sflag:s17] =	ssyncset.done $0x0  }
0x20: {  	s31 =	simm.s32 $0x18B00;
	[sflag:s17] =	ssyncadd.s32 $0xFFFFE000  }
0x21: {  	[spmem:s2] =	stream.indirect.scatter.add.f32 [tilespmem:s16], [sflag:$0x2], $0x80, s31, s15, $0xb8;
	[tilespmem:$0x1FA00] =	vst v63  }
0x22: {  	_ =	swait.ge [sflag:s11], $0x2000  }
0x23: {  	s20 =	simm.s32 $0x200;
	s19 =	simm.s32 $0x40;
	[sflag:s11] =	ssyncset.done $0x0  }
.LBB2_2:
0x24: {  	s21 =	sadd.s32 $0x13C00, s19  }
0x25: {  	[sflag:s11] =	ssyncadd.s32 $0xFFFFE000;
	s22 =	smov.u32 s20;
	s23 =	sadd.s32 $0x100, s20  }
0x26: {  	[tilespmem:s16], [sflag:$0x1] =	stream.indirect.gather [hbm4b:s4+s15], $0x80, s21, s15, $0xb8;
	[tilespmem:$0x1FA00] =	vst v63  }
0x27: {  	p0 =	sne.s32 s20, $0x13B00;
	_ =	swait.ge [sflag:s17], $0x2000  }
.Ltmp0:
0x28: {  	[sflag:s17] =	ssyncset.done $0x0;
	(pc) =	sbr.rel @p0 .LBB2_2-.Ltmp0, $4  }
0x29: {  	s19 =	sadd.s32 $0x18B00, s19;
	[sflag:s17] =	ssyncadd.s32 $0xFFFFE000  }
0x2a: {  	[spmem:s2] =	stream.indirect.scatter.add.f32 [tilespmem:s16], [sflag:$0x2], $0x80, s19, s15, $0xb8;
	[tilespmem:$0x1FA00] =	vst v63  }
0x2b: {  	_ =	swait.ge [sflag:s11], $0x2000  }
0x2c: {  	s20 =	smov.u32 s23;
	s19 =	sshra.s32 s22, $0x2;
	[sflag:s11] =	ssyncset.done $0x0  }
0x2d: {  	s20 =	sadd.s32 $0x13C00, s19;
	[sflag:s11] =	ssyncadd.s32 $0xFFFFE000  }
0x2e: {  	[tilespmem:s16], [sflag:$0x1] =	stream.indirect.gather [hbm4b:s4+s15], $0x80, s20, s15, $0xb8;
	[tilespmem:$0x1FA00] =	vst v63  }
0x2f: {  	_ =	swait.ge [sflag:s17], $0x2000  }
0x30: {  	[sflag:s17] =	ssyncset.done $0x0  }
0x31: {  	s31 =	sadd.s32 $0x18B00, s19;
	[sflag:s17] =	ssyncadd.s32 $0xFFFFE000  }
0x32: {  	[spmem:s2] =	stream.indirect.scatter.add.f32 [tilespmem:s16], [sflag:$0x2], $0x80, s31, s15, $0xb8;
	[tilespmem:$0x1FA00] =	vst v63  }
0x33: {  	_ =	swait.ge [sflag:s11], $0x2000  }
0x34: {  	s18 =	sadd.s32 $0x1, s18;
	[sflag:s11] =	ssyncset.done $0x0  }
0x35: {  	p0 =	sne.s32 s18, s9;
	[sflag:s11] =	ssyncadd.s32 $0xFFFFE000  }
.Ltmp1:
0x36: {  	[bflag:$0x0] =	sbarrier.arrive $0xFFFF;
	(pc) =	sbr.rel @p0 .LBB2_1-.Ltmp1, $4  }
0x37: {  	[hbm:s8], [sflag:s13] =	dma.local [spmem:s14], $0x2780  }
0x38: {  	_ =	swait.ge [sflag:s11], $0x2780  }
0x39: {  	[sflag:s11] =	ssyncset.done $0x0  }
0x3a: {  	[sflag:s11] =	ssyncadd.s32 $0xFFFFD880  }
0x3b: {  	_ =	sfence.sel $0x180000  }
0x3c: {  	[bflag:$0x0] =	sbarrier.arrive $0xFFFF  }
0x3d: {  	p0 =	sne.s32 s0, $0x0;
	_ =	strace $0x9000004D  }
0x3e: {  	s0 =	sadd.s32 @!p0 $0x100000, s1;
	[bflag:$0x2] =	sbarrier.arrive $0xFFFF  }
0x3f: {  	[sflag:s0] =	ssyncadd.tile.s32 @!p0 $0x1;
	_ =	shalt  }
.Lfunc_end2:
_tile_overlayer_lowered:
.L_overlay_start_2:
0x40: {  	(tag) =	ssettag $0x2  }
0x41: {  	s0 =	rddreg [dreg:$0x0];
	s2 =	stileid.u32  }
0x42: {  	s1 =	rddreg [dreg:$0x1];
	p0 =	sne.s32 s2, $0x0  }
0x43: {  	s3 =	rddreg [dreg:$0x2];
	[bflag:$0x3] =	sbarrier.arrive $0xFFFF;
	s2 =	simm.s32 @!p0 $0x1C02  }
0x44: {  	[timem:s3], [sflag:s2] =	dma.local @!p0 [hbm:s0], s1  }
0x45: {  	s0 =	simm.s32 @!p0 $0x2  }
0x46: {  	_ =	swait.ge @!p0 [sflag:s0], s1  }
0x47: {  	s1 =	ssub.s32 @!p0 $0x0, s1;
	[sflag:s0] =	ssyncset.done @!p0 $0x0  }
0x48: {  	[sflag:s0] =	ssyncadd.s32 @!p0 s1  }
0x49: {  	[bflag:$0x3] =	sbarrier.arrive $0xFFFF  }
0x4a: {  	_ =	shalt  }

// kernel: kernel.19.cloned.1.call-start
scs
__scs_entry_jumppad:
0x0: {  	(pc) =	sbr.rel $0x88, $3  }
0x1: {  	(tag) =	ssettag $0x0;
	lr =	simm.s32 $0x1  }
0x2: {  	[smem:$0x3F94] =	sst lr;
	_ =	strace $0xD0000000  }
0x3: {  	_ = 	snop  }
0x4: {  	_ = 	snop  }
0x5: {  	_ = 	snop  }
0x6: {  	_ = 	snop  }
0x7: {  	_ = 	snop  }
__scs_overlays_trampoline_lowered:
0x8: {  	[smem:$0x3FA3] =	sst s0  }
0x9: {  	[smem:$0x3FA4] =	sst s1  }
0xa: {  	[smem:$0x3FA5] =	sst s2  }
0xb: {  	[smem:$0x3FA6] =	sst s3  }
0xc: {  	[smem:$0x3FA7] =	sst s4  }
0xd: {  	[smem:$0x3FA8] =	sst s5  }
0xe: {  	[smem:$0x3FA9] =	sst s6  }
0xf: {  	[smem:$0x3FAA] =	sst s7  }
0x10: {  	[smem:$0x3FAB] =	sst s8  }
0x11: {  	[smem:$0x3FAC] =	sst s9;
	s0 =	simm.s32 @!p0 $0x0  }
0x12: {  	s1 =	sld [smem:$0x3F92];
	s0 =	simm.s32 @p0 $0x1  }
0x13: {  	[smem:$0x3FAD] =	sst s0;
	s0 =	simm.s32 @!p1 $0x0  }
0x14: {  	s2 =	sld [smem:$0x3F91];
	s0 =	simm.s32 @p1 $0x1  }
0x15: {  	[smem:$0x3FAE] =	sst s0;
	s0 =	simm.s32 @!p2 $0x0  }
0x16: {  	s3 =	sld [smem:$0x3FDB];
	s0 =	simm.s32 @p2 $0x1  }
0x17: {  	s4 =	simm.s32 $0x1BF5;
	[smem:$0x3FB0] =	sst s0  }
0x18: {  	s0 =	sld [smem:$0x3F93];
	_ =	swait.ge [sflag:s4], $0x0  }
0x19: {  	s7 =	sld [smem:$0x3F94]  }
0x1a: {  	s8 =	sadd.s32 $0xFFFFE003, lr  }
0x1b: {  	s9 =	sadd.s32 $0xFFFFFEF7, lr;
	s5 =	simm.s32 $0xFFFFFFFF;
	p2 =	slt.u32 s8, $0xFFFFF086  }
0x1c: {  	p1 =	slt.u32 s9, $0xF7A;
	s5 =	simm.s32 @!p2 $0x0  }
0x1d: {  	s5 =	simm.s32 @p1 $0x1;
	p0 =	seq.s32 s7, s2  }
0x1e: {  	s7 =	smul.u32 @!p0 $0xF7A, s2;
	p2 =	seq.s32 @!p0 s5, $0x0  }
0x1f: {  	s9 =	smul.u32 $0xF7A, s1;
	s8 =	simm.s32 @!p0 $0x1BF5;
	p2 =	por !p2, p0  }
0x20: {  	[sflag:s8] =	ssyncset.s32 @!p0 $0xFFFFF086;
	s6 =	sadd.s32 @!p0 s3, s7;
	s7 =	simm.s32 @!p0 $0x108  }
0x21: {  	s3 =	sadd.s32 s3, s9;
	s6 =	sadd.s32 @!p0 $0x88, s6;
	s7 =	simm.s32 @p2 $0x1082  }
0x22: {  	[simem:s7], [sflag:s8] =	dma.local @!p0 [hbm:s6], $0xF7A  }
0x23: {  	s9 =	sor.u32 $0xD0000000, s2;
	s6 =	simm.s32 $0x108;
	_ =	swait.ge @!p0 [sflag:s8], $0x0  }
0x24: {  	s3 =	sadd.s32 $0x88, s3;
	s6 =	simm.s32 @!p1 $0x1082;
	[sflag:s4] =	ssyncset.s32 $0xFFFFF086  }
0x25: {  	[simem:s6], [sflag:s4] =	dma.local [hbm:s3], $0xF7A  }
0x26: {  	[smem:$0x3F94] =	sst s1;
	(tag) =	ssettag s2;
	_ =	strace s9  }
0x27: {  	s1 =	sld [smem:$0x3FA4]  }
0x28: {  	s2 =	sld [smem:$0x3FA5]  }
0x29: {  	s4 =	sld [smem:$0x3FA7]  }
0x2a: {  	p0 =	seq.s32 s5, $0x0;
	s5 =	sld [smem:$0x3FA8]  }
0x2b: {  	s6 =	sld [smem:$0x3FA9]  }
0x2c: {  	s7 =	sld [smem:$0x3FAA]  }
0x2d: {  	s3 =	simm.s32 $0x108;
	s8 =	sld [smem:$0x3FAB]  }
0x2e: {  	s3 =	simm.s32 @!p0 $0x1082;
	s9 =	sld [smem:$0x3FAC]  }
0x2f: {  	lr =	sadd.s32 s0, s3;
	s0 =	sld [smem:$0x3FA3]  }
0x30: {  	s3 =	sld [smem:$0x3FA6]  }
0x31: {  	[smem:$0x3FAF] =	sst s10  }
0x32: {  	s10 =	sld [smem:$0x3FAD];
	_ =	sdelay $0x3  }
0x33: {  	p0 =	seq.s32 s10, $0x1;
	s10 =	sld [smem:$0x3FAF];
	_ =	sdelay $0x3  }
0x34: {  	[smem:$0x3FAF] =	sst s10  }
0x35: {  	s10 =	sld [smem:$0x3FAE];
	_ =	sdelay $0x3  }
0x36: {  	p1 =	seq.s32 s10, $0x1;
	s10 =	sld [smem:$0x3FAF];
	_ =	sdelay $0x3  }
0x37: {  	[smem:$0x3FAF] =	sst s10  }
0x38: {  	s10 =	sld [smem:$0x3FB0]  }
0x39: {  	_ = 	snop;
	(pc) =	sbr.ind lr, $3  }
0x3a: {  	_ = 	snop  }
0x3b: {  	_ = 	snop  }
0x3c: {  	p2 =	seq.s32 s10, $0x1;
	s10 =	sld [smem:$0x3FAF]  }
0x3d: {  	_ =	shalt  }
0x3e: {  	_ =	shalt  }
0x3f: {  	_ =	shalt  }
0x40: {  	_ =	shalt  }
0x41: {  	_ =	shalt  }
0x42: {  	_ =	shalt  }
0x43: {  	_ =	shalt  }
0x44: {  	_ =	shalt  }
0x45: {  	_ =	shalt  }
0x46: {  	_ =	shalt  }
0x47: {  	_ =	shalt  }
0x48: {  	_ =	shalt  }
0x49: {  	_ =	shalt  }
0x4a: {  	_ =	shalt  }
0x4b: {  	_ =	shalt  }
0x4c: {  	_ =	shalt  }
0x4d: {  	_ =	shalt  }
0x4e: {  	_ =	shalt  }
0x4f: {  	_ =	shalt  }
0x50: {  	_ =	shalt  }
0x51: {  	_ =	shalt  }
0x52: {  	_ =	shalt  }
0x53: {  	_ =	shalt  }
0x54: {  	_ =	shalt  }
0x55: {  	_ =	shalt  }
0x56: {  	_ =	shalt  }
0x57: {  	_ =	shalt  }
0x58: {  	_ =	shalt  }
0x59: {  	_ =	shalt  }
0x5a: {  	_ =	shalt  }
0x5b: {  	_ =	shalt  }
0x5c: {  	_ =	shalt  }
0x5d: {  	_ =	shalt  }
0x5e: {  	_ =	shalt  }
0x5f: {  	_ =	shalt  }
0x60: {  	_ =	shalt  }
0x61: {  	_ =	shalt  }
0x62: {  	_ =	shalt  }
0x63: {  	_ =	shalt  }
0x64: {  	_ =	shalt  }
0x65: {  	_ =	shalt  }
0x66: {  	_ =	shalt  }
0x67: {  	_ =	shalt  }
0x68: {  	_ =	shalt  }
0x69: {  	_ =	shalt  }
0x6a: {  	_ =	shalt  }
0x6b: {  	_ =	shalt  }
0x6c: {  	_ =	shalt  }
0x6d: {  	_ =	shalt  }
0x6e: {  	_ =	shalt  }
0x6f: {  	_ =	shalt  }
0x70: {  	_ =	shalt  }
0x71: {  	_ =	shalt  }
0x72: {  	_ =	shalt  }
0x73: {  	_ =	shalt  }
0x74: {  	_ =	shalt  }
0x75: {  	_ =	shalt  }
0x76: {  	_ =	shalt  }
0x77: {  	_ =	shalt  }
0x78: {  	_ =	shalt  }
0x79: {  	_ =	shalt  }
0x7a: {  	_ =	shalt  }
0x7b: {  	_ =	shalt  }
0x7c: {  	_ =	shalt  }
0x7d: {  	_ =	shalt  }
0x7e: {  	_ =	shalt  }
0x7f: {  	_ =	shalt  }
0x80: {  	_ =	shalt  }
0x81: {  	_ =	shalt  }
0x82: {  	_ =	shalt  }
0x83: {  	_ =	shalt  }
0x84: {  	_ =	shalt  }
0x85: {  	_ =	shalt  }
0x86: {  	_ =	shalt  }
0x87: {  	_ =	shalt  }
.Lfunc_end0:
.L_simem_size_0:
called_computation.3_lowered:
.L_overlay_start_0:
0x88: {  	s2 =	sld [smem:$0x3FD9]  }
0x89: {  	s3 =	sld [smem:$0x3FFE];
	_ =	sdelay $0x1  }
0x8a: {  	s1 =	srdreg.scid  }
0x8b: {  	s0 =	sand.u32 $0x1, s1  }
0x8c: {  	s16 =	sshll.u32 s0, $0xA;
	s2 =	sadd.s32 s3, s2  }
0x8d: {  	s2 =	sadd.s32 s2, s16  }
0x8e: {  	[smem:$0x3FBB] =	sst s2  }
0x8f: {  	_ = 	snop  }
0x90: {  	(tm) =	ssettm $0x1  }
0x91: {  	s17 =	sld [smem:$0x3FFB];
	_ =	sdelay $0x3  }
0x92: {  	_ =	strace s17  }
0x93: {  	s2 =	sld [smem:$0x3FFC];
	_ =	sdelay $0x3  }
0x94: {  	_ =	strace s2  }
0x95: {  	s2 =	sld [smem:$0x3FFD];
	_ =	sdelay $0x3  }
0x96: {  	_ =	strace s2  }
0x97: {  	_ =	strace $0x8FFFFFFF  }
0x98: {  	s18 =	sld [smem:$0x3FDB];
	_ =	sdelay $0x1  }
0x99: {  	s19 =	simm.s32 $_scs_section_size  }
0x9a: {  	s4 =	simm.s32 $_size__tile_overlayer_lowered;
	s5 =	simm.s32 $_tile_overlayer_lowered  }
0x9b: {  	s22 =	simm.s32 $0x1BFF;
	s21 =	sshll.u32 s5, $0x1;
	s2 =	sadd.s32 s19, s18  }
0x9c: {  	s6 =	simm.s32 $0x0;
	s20 =	sshll.u32 s4, $0x1;
	s4 =	sadd.s32 s21, s2  }
0x9d: {  	[timem:s6], [sflag:s22] =	dma.local [hbm:s4], s20  }
0x9e: {  	_ =	swait.ge [sflag:s22], s20  }
0x9f: {  	s3 =	ssub.s32 $0x0, s20;
	[sflag:s22] =	ssyncset.done $0x0  }
0xa0: {  	[sflag:s22] =	ssyncadd.s32 s3;
	_ =	sdelay $0x1  }
0xa1: {  	s23 =	simm.s32 $0x1B8B  }
0xa2: {  	_ =	swait.ge [sflag:s23], $0x1  }
0xa3: {  	[sflag:s23] =	ssyncset.done $0x0  }
0xa4: {  	s25 =	simm.s32 $0x1B8E;
	s24 =	sld [smem:$0x3FFE];
	[sflag:s23] =	ssyncadd.s32 $0xFFFFFFFF  }
0xa5: {  	s26 =	simm.s32 $execute0_lowered;
	[smem:$0x3FD2] =	sst s25  }
0xa6: {  	s4 =	sshll.u32 s26, $0x1;
	_ =	strace $0x8000004F;
	[dreg:$0x1] =	wrdreg $0xFFFFFFFF  }
0xa7: {  	s28 =	simm.s32 $_size_execute0_lowered;
	s2 =	sadd.s32 s2, s4;
	[dreg:$0x0] =	wrdreg $0x0  }
0xa8: {  	s4 =	sshll.u32 s28, $0x1;
	[dreg:$0x2] =	wrdreg s2  }
0xa9: {  	[dreg:$0x3] =	wrdreg s4  }
0xaa: {  	[dreg:$0x4] =	wrdreg $0xC0  }
0xab: {  	_ =	task [dreg:s6], $0x5FFFF  }
0xac: {  	[dreg:$0x1] =	wrdreg $0xFFFFFFFF  }
0xad: {  	[dreg:$0x0] =	wrdreg $0x60  }
0xae: {  	[dreg:$0x2] =	wrdreg s24  }
0xaf: {  	[dreg:$0x3] =	wrdreg $0x0  }
0xb0: {  	[dreg:$0x4] =	wrdreg $0x9  }
0xb1: {  	_ =	task.clear_ibuf [dreg:s6], $0x5FFFF;
	_ =	strace $0x9000004F  }
0xb2: {  	s29 =	simm.s32 $0x9;
	_ =	strace $0x80000051  }
0xb3: {  	_ =	swait.ge [sflag:s29], $0x1  }
0xb4: {  	[sflag:s29] =	ssyncadd.s32 $0xFFFFFFFF  }
0xb5: {  	_ =	strace $0x90000051  }
0xb6: {  	_ =	sfence  }
0xb7: {  	s30 =	sld [smem:$0x0];
	_ =	sdelay $0x2  }
0xb8: {  	s31 =	sshll.u32 s1, $0xD;
	s1 =	sshrl.u32 s1, $0x2  }
0xb9: {  	s3 =	sand.u32 $0x4000, s31;
	s1 =	sadd.s32 s1, s30  }
0xba: {  	s0 =	sor.u32 s3, s0;
	s1 =	sshll.u32 s1, $0x11  }
0xbb: {  	s0 =	sor.u32 s1, s0  }
0xbc: {  	s0 =	sadd.s32 $0x8F2B, s0  }
0xbd: {  	[sflag:s0] =	ssyncadd.remote.s32 $0x1  }
0xbe: {  	_ =	sfence.sel $0xFFFF  }
0xbf: {  	[dreg:$0x0] =	wrdreg $0xFFFFFFFF;
	(pc) =	sbr.abs _section_cstart, $3  }
0xc0: {  	[dreg:$0x1] =	wrdreg $0xFFFFFFFF  }
0xc1: {  	_ =	task.clear_ibuf [dreg:s6], $0x2FFFF;
	_ =	strace $0x9FFFFFFF  }
0xc2: {  	(tm) =	ssettm $0x7FFFFFFF  }
0xc3: {  	_ =	shalt  }
tec
execute0_lowered:
.L_overlay_start_1:
0x0: {  	(tag) =	ssettag $0x1  }
0x1: {  	s6 =	rddreg [dreg:$0x0]  }
0x2: {  	s0 =	srdreg.scid;
	s2 =	rddreg [dreg:$0x1]  }
0x3: {  	s3 =	simm.s32 $0x0;
	s5 =	sand.u32 $0x1, s0;
	s0 =	stileid.u32  }
0x4: {  	s15 =	simm.s32 $0x40;
	s16 =	simm.s32 $0x1DA00;
	s8 =	smul.u32 $0x278, s0  }
0x5: {  	s17 =	simm.s32 $0x1;
	s18 =	simm.s32 $0x0;
	s9 =	smul.u32 $0x2780, s5  }
0x6: {  	[smem:$0x7FF] =	sst s3;
	s4 =	sadd.s32 $0x4DC00, s6;
	s10 =	smul.u32 $0x9E0, s0  }
0x7: {  	s1 =	sshll.u32 s5, $0x4;
	s5 =	ssub.s32 $0x2, s5;
	s29 =	smul.u32 $0x4F000, s0  }
0x8: {  	s13 =	sshll.u32 s0, $0x6;
	s1 =	sor.u32 s0, s1;
	s30 =	sshrl.u32 s5, $0x1  }
0x9: {  	s13 =	sor.u32 $0x1C02, s13;
	s7 =	smul.u32 $0x9E0, s1;
	s1 =	rddreg [dreg:$0x2]  }
0xa: {  	_ =	strace $0x80000050;
	s8 =	sadd.s32 s8, s9;
	s10 =	sadd.s32 s10, s6  }
0xb: {  	s12 =	ssub.s32 s5, s30;
	s31 =	sshrl.u32 s29, $0x2;
	s8 =	sshll.u32 s8, $0x4  }
0xc: {  	s14 =	sadd.s32 s31, s2;
	s9 =	smax.u32 s12, $0x1;
	s12 =	simm.s32 $0x18B00  }
0xd: {  	s7 =	sadd.s32 s7, s6;
	s11 =	sadd.s32 s8, s6;
	s6 =	sadd.s32 $0x4000, s10  }
0xe: {  	s10 =	simm.s32 $0x13C00;
	s14 =	sshrl.u32 s14, $0x3;
	s5 =	sadd.s32 $0xEBC00, s7  }
0xf: {  	s7 =	sadd.s32 s4, s8;
	s8 =	sadd.s32 $0x9CC00, s11;
	s11 =	simm.s32 $0x2  }
.LBB2_1:
0x10: {  	[tilespmem:s10], [sflag:$0x2] =	stream.linear.gather [hbm4b:s5+s3], $0x4F00, $0x38;
	[tilespmem:$0x1FA00] =	vst v63  }
0x11: {  	_ =	swait.ge [sflag:s11], $0x4F00  }
0x12: {  	[sflag:s11] =	ssyncset.done $0x0  }
0x13: {  	[sflag:s11] =	ssyncadd.s32 $0xFFFFB100  }
0x14: {  	[tilespmem:s12], [sflag:$0x2] =	stream.linear.gather [hbm4b:s6+s3], $0x4F00, $0x38;
	[tilespmem:$0x1FA00] =	vst v63  }
0x15: {  	_ =	swait.ge [sflag:s11], $0x4F00  }
0x16: {  	[sflag:s11] =	ssyncset.done $0x0  }
0x17: {  	[sflag:s11] =	ssyncadd.s32 $0xFFFFB100  }
0x18: {  	[spmem:s14], [sflag:s13] =	dma.local [hbm:s7], $0x2780  }
0x19: {  	_ =	swait.ge [sflag:s11], $0x2780  }
0x1a: {  	[sflag:s11] =	ssyncset.done $0x0  }
0x1b: {  	[sflag:s11] =	ssyncadd.s32 $0xFFFFD880  }
0x1c: {  	s19 =	simm.s32 $0x13C00;
	[bflag:$0x0] =	sbarrier.arrive $0xFFFF  }
0x1d: {  	[tilespmem:s16], [sflag:$0x1] =	stream.indirect.gather [hbm4b:s4+s15], $0x80, s19, s15, $0xb8;
	[tilespmem:$0x1FA00] =	vst v63  }
0x1e: {  	_ =	swait.ge [sflag:s17], $0x2000  }
0x1f: {  	[sflag:s17] =	ssyncset.done $0x0  }
0x20: {  	s31 =	simm.s32 $0x18B00;
	[sflag:s17] =	ssyncadd.s32 $0xFFFFE000  }
0x21: {  	[spmem:s2] =	stream.indirect.scatter.add.f32 [tilespmem:s16], [sflag:$0x2], $0x80, s31, s15, $0xb8;
	[tilespmem:$0x1FA00] =	vst v63  }
0x22: {  	_ =	swait.ge [sflag:s11], $0x2000  }
0x23: {  	s20 =	simm.s32 $0x200;
	s19 =	simm.s32 $0x40;
	[sflag:s11] =	ssyncset.done $0x0  }
.LBB2_2:
0x24: {  	s21 =	sadd.s32 $0x13C00, s19  }
0x25: {  	[sflag:s11] =	ssyncadd.s32 $0xFFFFE000;
	s22 =	smov.u32 s20;
	s23 =	sadd.s32 $0x100, s20  }
0x26: {  	[tilespmem:s16], [sflag:$0x1] =	stream.indirect.gather [hbm4b:s4+s15], $0x80, s21, s15, $0xb8;
	[tilespmem:$0x1FA00] =	vst v63  }
0x27: {  	p0 =	sne.s32 s20, $0x13B00;
	_ =	swait.ge [sflag:s17], $0x2000  }
.Ltmp0:
0x28: {  	[sflag:s17] =	ssyncset.done $0x0;
	(pc) =	sbr.rel @p0 .LBB2_2-.Ltmp0, $4  }
0x29: {  	s19 =	sadd.s32 $0x18B00, s19;
	[sflag:s17] =	ssyncadd.s32 $0xFFFFE000  }
0x2a: {  	[spmem:s2] =	stream.indirect.scatter.add.f32 [tilespmem:s16], [sflag:$0x2], $0x80, s19, s15, $0xb8;
	[tilespmem:$0x1FA00] =	vst v63  }
0x2b: {  	_ =	swait.ge [sflag:s11], $0x2000  }
0x2c: {  	s20 =	smov.u32 s23;
	s19 =	sshra.s32 s22, $0x2;
	[sflag:s11] =	ssyncset.done $0x0  }
0x2d: {  	s20 =	sadd.s32 $0x13C00, s19;
	[sflag:s11] =	ssyncadd.s32 $0xFFFFE000  }
0x2e: {  	[tilespmem:s16], [sflag:$0x1] =	stream.indirect.gather [hbm4b:s4+s15], $0x80, s20, s15, $0xb8;
	[tilespmem:$0x1FA00] =	vst v63  }
0x2f: {  	_ =	swait.ge [sflag:s17], $0x2000  }
0x30: {  	[sflag:s17] =	ssyncset.done $0x0  }
0x31: {  	s31 =	sadd.s32 $0x18B00, s19;
	[sflag:s17] =	ssyncadd.s32 $0xFFFFE000  }
0x32: {  	[spmem:s2] =	stream.indirect.scatter.add.f32 [tilespmem:s16], [sflag:$0x2], $0x80, s31, s15, $0xb8;
	[tilespmem:$0x1FA00] =	vst v63  }
0x33: {  	_ =	swait.ge [sflag:s11], $0x2000  }
0x34: {  	s18 =	sadd.s32 $0x1, s18;
	[sflag:s11] =	ssyncset.done $0x0  }
0x35: {  	p0 =	sne.s32 s18, s9;
	[sflag:s11] =	ssyncadd.s32 $0xFFFFE000  }
.Ltmp1:
0x36: {  	[bflag:$0x0] =	sbarrier.arrive $0xFFFF;
	(pc) =	sbr.rel @p0 .LBB2_1-.Ltmp1, $4  }
0x37: {  	[hbm:s8], [sflag:s13] =	dma.local [spmem:s14], $0x2780  }
0x38: {  	_ =	swait.ge [sflag:s11], $0x2780  }
0x39: {  	[sflag:s11] =	ssyncset.done $0x0  }
0x3a: {  	[sflag:s11] =	ssyncadd.s32 $0xFFFFD880  }
0x3b: {  	_ =	sfence.sel $0x180000  }
0x3c: {  	[bflag:$0x0] =	sbarrier.arrive $0xFFFF  }
0x3d: {  	p0 =	sne.s32 s0, $0x0;
	_ =	strace $0x90000050  }
0x3e: {  	s0 =	sadd.s32 @!p0 $0x100000, s1;
	[bflag:$0x2] =	sbarrier.arrive $0xFFFF  }
0x3f: {  	[sflag:s0] =	ssyncadd.tile.s32 @!p0 $0x1;
	_ =	shalt  }
.Lfunc_end2:
_tile_overlayer_lowered:
.L_overlay_start_2:
0x40: {  	(tag) =	ssettag $0x2  }
0x41: {  	s0 =	rddreg [dreg:$0x0];
	s2 =	stileid.u32  }
0x42: {  	s1 =	rddreg [dreg:$0x1];
	p0 =	sne.s32 s2, $0x0  }
0x43: {  	s3 =	rddreg [dreg:$0x2];
	[bflag:$0x3] =	sbarrier.arrive $0xFFFF;
	s2 =	simm.s32 @!p0 $0x1C02  }
0x44: {  	[timem:s3], [sflag:s2] =	dma.local @!p0 [hbm:s0], s1  }
0x45: {  	s0 =	simm.s32 @!p0 $0x2  }
0x46: {  	_ =	swait.ge @!p0 [sflag:s0], s1  }
0x47: {  	s1 =	ssub.s32 @!p0 $0x0, s1;
	[sflag:s0] =	ssyncset.done @!p0 $0x0  }
0x48: {  	[sflag:s0] =	ssyncadd.s32 @!p0 s1  }
0x49: {  	[bflag:$0x3] =	sbarrier.arrive $0xFFFF  }
0x4a: {  	_ =	shalt  }

</sc_bundles>
